<compile_context>
chip_gen: v7x
topology: tpu7x:2x2x1
jax: 0.10.2.dev20260603
libtpu: 0.0.44.dev20260713+nightly
codegen_flags: <defaults>
</compile_context>

<pallas_src>
import functools

import jax
import jax.numpy as jnp
from jax import lax
from jax.experimental import pallas as pl
from jax.experimental.pallas import tpu as pltpu
from jax.experimental.pallas import tpu_sc as plsc

N = 10000
K = 32
D = 128
NW = 32
CK = 128
C = CK // K
ROWS_W = 320
CHUNKS = ROWS_W // C
SE = 2
NV = D // 16
SH_PER_SUB = 640


def _sc_mesh():
    return plsc.VectorSubcoreMesh(core_axis_name="c", subcore_axis_name="s")


@functools.partial(
    pl.kernel,
    mesh=_sc_mesh(),
    out_type=jax.ShapeDtypeStruct((N, D), jnp.float32),
    scratch_types=[
        pltpu.VMEM((ROWS_W * K,), jnp.int32),
        pltpu.VMEM((CK, D), jnp.float32),
        pltpu.VMEM((CK, D), jnp.float32),
        pltpu.VMEM((2 * SE * C, D), jnp.float32),
        pltpu.VMEM_SHARED((N, D), jnp.float32),
        pltpu.SemaphoreType.DMA,
        pltpu.SemaphoreType.DMA,
        pltpu.SemaphoreType.DMA,
        pltpu.SemaphoreType.DMA,
    ],
)
def _sc_gather_sum(x_hbm, ei_hbm, s_hbm, idx_v, buf_a, buf_b, out_v,
                   x_sh, sem_a, sem_b, sem_oa, sem_ob):
    sub = lax.axis_index("s")
    wid = sub * 2 + lax.axis_index("c")
    xoff = jnp.minimum(sub * SH_PER_SUB, N - SH_PER_SUB)
    xoff = pl.multiple_of(xoff, 16)
    stage = pltpu.make_async_copy(x_hbm.at[pl.ds(xoff, SH_PER_SUB)],
                                  x_sh.at[pl.ds(xoff, SH_PER_SUB)], sem_a)
    stage.start()
    woff = jnp.minimum(wid * ROWS_W, N - ROWS_W)
    woff = pl.multiple_of(woff, 16)
    pltpu.sync_copy(ei_hbm.at[pl.ds(woff * K, ROWS_W * K)], idx_v)
    stage.wait()
    plsc.subcore_barrier()

    def fire(t, buf, sem):
        pltpu.async_copy(x_sh.at[idx_v.at[pl.ds(t * CK, CK)]], buf, sem)

    def drain(t, buf, sem):
        pltpu.make_async_copy(x_sh.at[idx_v.at[pl.ds(t * CK, CK)]],
                              buf, sem).wait()

    HR = SE * C

    def half_view(h):
        return out_v.at[pl.ds(h * HR, HR)]

    def store_half(h, base, sem):
        return pltpu.make_async_copy(half_view(h),
                                     s_hbm.at[pl.ds(base, HR)], sem)

    def acc_chunk(t, buf):
        parity = lax.rem(t // SE, 2)
        ob = parity * HR + (t % SE) * C

        @pl.when(jnp.logical_and(t % SE == 0, t >= 2 * SE))
        def _():
            dbase = pl.multiple_of(woff + (t - 2 * SE) * C, HR)

            @pl.when(parity == 0)
            def _():
                store_half(0, dbase, sem_oa).wait()

            @pl.when(parity == 1)
            def _():
                store_half(1, dbase, sem_ob).wait()

        def cbody(c, carry):
            def kbody(kk, accs):
                r0 = c * K + kk * 8
                for j in range(8):
                    accs = tuple(accs[v] + buf[r0 + j, pl.ds(v * 16, 16)]
                                 for v in range(NV))
                return accs
            accs = tuple(jnp.zeros((16,), jnp.float32) for _ in range(NV))
            accs = lax.fori_loop(0, K // 8, kbody, accs)
            for v in range(NV):
                out_v[ob + c, pl.ds(v * 16, 16)] = accs[v]
            return carry
        lax.fori_loop(0, C, cbody, 0)

        @pl.when(t % SE == SE - 1)
        def _():
            sbase = pl.multiple_of(woff + (t - (SE - 1)) * C, HR)

            @pl.when(parity == 0)
            def _():
                store_half(0, sbase, sem_oa).start()

            @pl.when(parity == 1)
            def _():
                store_half(1, sbase, sem_ob).start()

    fire(0, buf_a, sem_a)

    def body(u, carry):
        t0 = 2 * u
        t1 = t0 + 1
        fire(t1, buf_b, sem_b)
        drain(t0, buf_a, sem_a)
        acc_chunk(t0, buf_a)

        @pl.when(t0 + 2 < CHUNKS)
        def _():
            fire(t0 + 2, buf_a, sem_a)

        drain(t1, buf_b, sem_b)
        acc_chunk(t1, buf_b)
        return carry

    lax.fori_loop(0, CHUNKS // 2, body, 0)
    b0 = pl.multiple_of(woff + (CHUNKS - 1 - SE - (SE - 1)) * C, HR)
    b1 = pl.multiple_of(woff + (CHUNKS - 1 - (SE - 1)) * C, HR)
    store_half(0, b0, sem_oa).wait()
    store_half(1, b1, sem_ob).wait()


def _tc_body(eps_ref, x_ref, s_ref, w_ref, b_ref, o_ref):
    h = (1.0 + eps_ref[0, 0]) * x_ref[...] + s_ref[...]
    o_ref[...] = lax.dot_general(
        h, w_ref[...], (((1,), (1,)), ((), ())),
        preferred_element_type=jnp.float32) + b_ref[...]


_TC_BLK = 2000


def _tc_mlp(eps, x, s, W, b):
    grid = (N // _TC_BLK,)
    return pl.pallas_call(
        _tc_body,
        grid=grid,
        in_specs=[
            pl.BlockSpec(memory_space=pltpu.SMEM),
            pl.BlockSpec((_TC_BLK, D), lambda i: (i, 0)),
            pl.BlockSpec((_TC_BLK, D), lambda i: (i, 0)),
            pl.BlockSpec((D, D), lambda i: (0, 0)),
            pl.BlockSpec((1, D), lambda i: (0, 0)),
        ],
        out_specs=pl.BlockSpec((_TC_BLK, D), lambda i: (i, 0)),
        out_shape=jax.ShapeDtypeStruct((N, D), jnp.float32),
    )(eps, x, s, W, b)


def kernel(x, edge_index, W, b, eps):
    ei1d = edge_index.reshape(-1)
    s = _sc_gather_sum(x, ei1d)
    eps2 = eps.reshape(1, 1)
    b2 = b.reshape(1, D)
    return _tc_mlp(eps2, x, s, W, b2)

# --- scband reference (transcript-rebuilt; emitter-appended) ---
"""Pipeline reference for scband-ginconv-81398220194522 (READ-ONLY COPY).

The authoritative reference and input builder live on the scoring server;
editing this copy changes nothing except your own understanding.
"""

import jax, jax.numpy as jnp
import numpy as np

N = 10000
K = 32
D_IN = 128
D_OUT = 128


def setup_inputs(seed: int = 0) -> dict:
    key = jax.random.key(seed)
    k1, k2, k3, k4 = jax.random.split(key, 4)
    x = jax.random.normal(k1, (N, D_IN), dtype=jnp.float32)
    # padded adjacency: values in [0, N); row index N is the zero-padding row
    edge_index = jax.random.randint(k2, (N, K), 0, N, dtype=jnp.int32)
    # learned params of the GIN MLP (single Linear + Identity norm)
    bound = 1.0 / np.sqrt(D_IN)
    W = jax.random.uniform(k3, (D_OUT, D_IN), minval=-bound, maxval=bound, dtype=jnp.float32)
    b = jax.random.uniform(k4, (D_OUT,), minval=-bound, maxval=bound, dtype=jnp.float32)
    eps = jnp.zeros((1,), dtype=jnp.float32)  # trainable eps initialized to 0.0
    return {"x": x, "edge_index": edge_index, "W": W, "b": b, "eps": eps}


def reference(x, edge_index, W, b, eps):
    # pad node features with a zero row so padding index N gathers zeros
    pad_row = jnp.zeros((1, x.shape[1]), dtype=x.dtype)
    node_feature_padded = jnp.concatenate([x, pad_row], axis=0)  # [N+1, D_IN]
    # gather neighbor features: [N, K, D_IN]
    neigh_feature = jnp.take(node_feature_padded, edge_index, axis=0)
    # GIN aggregation: (1 + eps) * x + sum_j x_j
    h = (1.0 + eps) * x + neigh_feature.sum(axis=1)
    # MLP: Linear(D_IN -> D_OUT) followed by Identity norm
    out = h @ W.T + b
    return out

if __name__ == "__main__":
    import jax
    _d = setup_inputs()
    print(jax.jit(kernel)(*tuple(_d.values())))

</pallas_src>

<mosaic_0001>
#map = affine_map<(d0, d1) -> (0, 0)>
#map1 = affine_map<(d0, d1) -> (0)>
module attributes {stable_mosaic.version = 14 : i64} {
  func.func @_sc_gather_sum(%arg0: i32, %arg1: i32, %arg2: memref<10000x128xf32, #tpu.memory_space<hbm>>, %arg3: memref<320000xi32, #tpu.memory_space<hbm>>, %arg4: memref<10000x128xf32, #tpu.memory_space<hbm>>, %arg5: memref<10240xi32, #tpu.memory_space<vmem>>, %arg6: memref<128x128xf32, #tpu.memory_space<vmem>>, %arg7: memref<128x128xf32, #tpu.memory_space<vmem>>, %arg8: memref<16x128xf32, #tpu.memory_space<vmem>>, %arg9: memref<10000x128xf32, #tpu.memory_space<vmem_shared>>, %arg10: memref<!tpu.dma_semaphore, #tpu.memory_space<semaphore_mem>>, %arg11: memref<!tpu.dma_semaphore, #tpu.memory_space<semaphore_mem>>, %arg12: memref<!tpu.dma_semaphore, #tpu.memory_space<semaphore_mem>>, %arg13: memref<!tpu.dma_semaphore, #tpu.memory_space<semaphore_mem>>) attributes {dimension_semantics = [#tpu.dimension_semantics<core_parallel>, #tpu.dimension_semantics<subcore_parallel>], iteration_bounds = array<i64: 2, 16>, scalar_prefetch = 0 : i64, scratch_operands = 9 : i64, tpu.core_type = #tpu.core_type<sc_vector_subcore>, window_params = [{transform_indices = #map}, {transform_indices = #map1}, {transform_indices = #map}]} {
    %mul3A = arith.constant 2 : i32
    %mul3A_0 = arith.muli %arg1, %mul3A : i32
    %add3A = arith.addi %mul3A_0, %arg0 : i32
    %mul3A_1 = arith.constant 640 : i32
    %mul3A_2 = arith.muli %arg1, %mul3A_1 : i32
    %min3A = arith.constant 9360 : i32
    %min3A_3 = arith.minsi %mul3A_2, %min3A : i32
    %multiple_of3A = tpu.assume_multiple %min3A_3, 16 : i32
    %dma_start3A = arith.constant 0 : i32
    %dma_start3A_4 = tpu.memref_slice %arg9[%multiple_of3A, %dma_start3A] : memref<10000x128xf32, #tpu.memory_space<vmem_shared>> -> memref<640x128xf32, #tpu.memory_space<vmem_shared>>
    %dma_start3A_5 = arith.constant 0 : i32
    %dma_start3A_6 = tpu.memref_slice %arg2[%multiple_of3A, %dma_start3A_5] : memref<10000x128xf32, #tpu.memory_space<hbm>> -> memref<640x128xf32, #tpu.memory_space<hbm>>
    tpu.enqueue_dma source(%dma_start3A_6 : memref<640x128xf32, #tpu.memory_space<hbm>>) target(%dma_start3A_4 : memref<640x128xf32, #tpu.memory_space<vmem_shared>>) target_semaphore(%arg10 : memref<!tpu.dma_semaphore, #tpu.memory_space<semaphore_mem>>)
    %mul3A_7 = arith.constant 320 : i32
    %mul3A_8 = arith.muli %add3A, %mul3A_7 : i32
    %min3A_9 = arith.constant 9680 : i32
    %min3A_10 = arith.minsi %mul3A_8, %min3A_9 : i32
    %multiple_of3A_11 = tpu.assume_multiple %min3A_10, 16 : i32
    %mul3A_12 = arith.constant 32 : i32
    %mul3A_13 = arith.muli %multiple_of3A_11, %mul3A_12 : i32
    "tpu.region"() ({
      %run_scoped3A = tpu.sem_alloc : memref<!tpu.dma_semaphore, #tpu.memory_space<semaphore_mem>>
      %dma_start3A_53 = tpu.memref_slice %arg3[%mul3A_13] : memref<320000xi32, #tpu.memory_space<hbm>> -> memref<10240xi32, #tpu.memory_space<hbm>>
      %dma_start3A_54 = tpu.memref_slice %arg3[%mul3A_13] : memref<320000xi32, #tpu.memory_space<hbm>> -> memref<10240xi32, #tpu.memory_space<hbm>>
      tpu.enqueue_dma source(%dma_start3A_54 : memref<10240xi32, #tpu.memory_space<hbm>>) target(%arg5 : memref<10240xi32, #tpu.memory_space<vmem>>) target_semaphore(%run_scoped3A : memref<!tpu.dma_semaphore, #tpu.memory_space<semaphore_mem>>)
      %dma_wait3A_55 = tpu.memref_slice %arg3[%mul3A_13] : memref<320000xi32, #tpu.memory_space<hbm>> -> memref<10240xi32, #tpu.memory_space<hbm>>
      %dma_wait3A_56 = tpu.memref_slice %arg3[%mul3A_13] : memref<320000xi32, #tpu.memory_space<hbm>> -> memref<10240xi32, #tpu.memory_space<hbm>>
      tpu.wait_dma2 semaphore(%run_scoped3A : memref<!tpu.dma_semaphore, #tpu.memory_space<semaphore_mem>>) src(%dma_wait3A_56 : memref<10240xi32, #tpu.memory_space<hbm>>) dst(%arg5 : memref<10240xi32, #tpu.memory_space<vmem>>)
      tpu.yield
    }) : () -> ()
    %dma_wait3A = arith.constant 0 : i32
    %dma_wait3A_14 = tpu.memref_slice %arg9[%multiple_of3A, %dma_wait3A] : memref<10000x128xf32, #tpu.memory_space<vmem_shared>> -> memref<640x128xf32, #tpu.memory_space<vmem_shared>>
    %dma_wait3A_15 = arith.constant 0 : i32
    %dma_wait3A_16 = tpu.memref_slice %arg2[%multiple_of3A, %dma_wait3A_15] : memref<10000x128xf32, #tpu.memory_space<hbm>> -> memref<640x128xf32, #tpu.memory_space<hbm>>
    tpu.wait_dma2 semaphore(%arg10 : memref<!tpu.dma_semaphore, #tpu.memory_space<semaphore_mem>>) src(%dma_wait3A_16 : memref<640x128xf32, #tpu.memory_space<hbm>>) dst(%dma_wait3A_14 : memref<640x128xf32, #tpu.memory_space<vmem_shared>>)
    %barrier3A = arith.constant 0 : index
    tpu.barrier barrier_id(%barrier3A)
    %dma_start3A_17 = arith.constant 0 : i32
    %dma_start3A_18 = tpu.memref_slice %arg5[%dma_start3A_17] : memref<10240xi32, #tpu.memory_space<vmem>> -> memref<128xi32, #tpu.memory_space<vmem>>
    %dma_start3A_19 = arith.constant 0 : i32
    %dma_start3A_20 = arith.constant 0 : i32
    %dma_start3A_21 = tpu.memref_slice %arg9[%dma_start3A_19, %dma_start3A_20] : memref<10000x128xf32, #tpu.memory_space<vmem_shared>> -> memref<10000x128xf32, #tpu.memory_space<vmem_shared>>
    tpu.enqueue_indirect_dma source(%dma_start3A_21 : memref<10000x128xf32, #tpu.memory_space<vmem_shared>>) target(%arg6 : memref<128x128xf32, #tpu.memory_space<vmem>>) offsets(%dma_start3A_18 : memref<128xi32, #tpu.memory_space<vmem>>) semaphore(%arg10 : memref<!tpu.dma_semaphore, #tpu.memory_space<semaphore_mem>>)
    %scan3A = arith.constant 0 : i32
    %scan3A_22 = arith.constant 0 : i32
    %scan3A_23 = arith.constant 40 : i32
    %scan3A_24 = arith.addi %scan3A_22, %scan3A_23 : i32
    %scan3A_25 = arith.constant 1 : i32
    scf.for %scan3A_53 = %scan3A_22 to %scan3A_24 step %scan3A_25  : i32 {
      %mul3A_54 = arith.constant 2 : i32
      %mul3A_55 = arith.muli %mul3A_54, %scan3A_53 : i32
      %add3A_56 = arith.constant 1 : i32
      %add3A_57 = arith.addi %mul3A_55, %add3A_56 : i32
      %mul3A_58 = arith.constant 128 : i32
      %mul3A_59 = arith.muli %add3A_57, %mul3A_58 : i32
      %dma_start3A_60 = tpu.memref_slice %arg5[%mul3A_59] : memref<10240xi32, #tpu.memory_space<vmem>> -> memref<128xi32, #tpu.memory_space<vmem>>
      %dma_start3A_61 = arith.constant 0 : i32
      %dma_start3A_62 = arith.constant 0 : i32
      %dma_start3A_63 = tpu.memref_slice %arg9[%dma_start3A_61, %dma_start3A_62] : memref<10000x128xf32, #tpu.memory_space<vmem_shared>> -> memref<10000x128xf32, #tpu.memory_space<vmem_shared>>
      tpu.enqueue_indirect_dma source(%dma_start3A_63 : memref<10000x128xf32, #tpu.memory_space<vmem_shared>>) target(%arg7 : memref<128x128xf32, #tpu.memory_space<vmem>>) offsets(%dma_start3A_60 : memref<128xi32, #tpu.memory_space<vmem>>) semaphore(%arg11 : memref<!tpu.dma_semaphore, #tpu.memory_space<semaphore_mem>>)
      %mul3A_64 = arith.constant 128 : i32
      %mul3A_65 = arith.muli %mul3A_55, %mul3A_64 : i32
      %dma_wait3A_66 = tpu.memref_slice %arg5[%mul3A_65] : memref<10240xi32, #tpu.memory_space<vmem>> -> memref<128xi32, #tpu.memory_space<vmem>>
      %dma_wait3A_67 = arith.constant 0 : i32
      %dma_wait3A_68 = arith.constant 0 : i32
      %dma_wait3A_69 = tpu.memref_slice %arg9[%dma_wait3A_67, %dma_wait3A_68] : memref<10000x128xf32, #tpu.memory_space<vmem_shared>> -> memref<10000x128xf32, #tpu.memory_space<vmem_shared>>
      tpu.wait_indirect_dma semaphore(%arg10 : memref<!tpu.dma_semaphore, #tpu.memory_space<semaphore_mem>>) src(%dma_wait3A_69 : memref<10000x128xf32, #tpu.memory_space<vmem_shared>>) dst(%arg6 : memref<128x128xf32, #tpu.memory_space<vmem>>)
      %jit3A = arith.constant 2 : i32
      %div3A = arith.divsi %mul3A_55, %jit3A : i32
      %sign3A = arith.constant 0 : i32
      %sign3A_70 = arith.cmpi sgt, %mul3A_55, %sign3A : i32
      %sign3A_71 = arith.extui %sign3A_70 : i1 to i32
      %sign3A_72 = arith.constant 0 : i32
      %sign3A_73 = arith.cmpi slt, %mul3A_55, %sign3A_72 : i32
      %sign3A_74 = arith.extui %sign3A_73 : i1 to i32
      %sign3A_75 = arith.subi %sign3A_71, %sign3A_74 : i32
      %sign3A_76 = arith.constant 0 : i32
      %sign3A_77 = arith.cmpi sgt, %jit3A, %sign3A_76 : i32
      %sign3A_78 = arith.extui %sign3A_77 : i1 to i32
      %sign3A_79 = arith.constant 0 : i32
      %sign3A_80 = arith.cmpi slt, %jit3A, %sign3A_79 : i32
      %sign3A_81 = arith.extui %sign3A_80 : i1 to i32
      %sign3A_82 = arith.subi %sign3A_78, %sign3A_81 : i32
      %ne3A = arith.cmpi ne, %sign3A_75, %sign3A_82 : i32
      %rem3A = arith.remsi %mul3A_55, %jit3A : i32
      %ne3A_83 = arith.constant 0 : i32
      %ne3A_84 = arith.cmpi ne, %rem3A, %ne3A_83 : i32
      %and3A = arith.andi %ne3A, %ne3A_84 : i1
      %sub3A = arith.constant 1 : i32
      %sub3A_85 = arith.subi %div3A, %sub3A : i32
      %select_n3A = arith.select %and3A, %sub3A_85, %div3A : i32
      %rem3A_86 = arith.constant 2 : i32
      %rem3A_87 = arith.remsi %select_n3A, %rem3A_86 : i32
      %mul3A_88 = arith.constant 8 : i32
      %mul3A_89 = arith.muli %rem3A_87, %mul3A_88 : i32
      %jit3A_90 = arith.constant 2 : i32
      %eq3A = arith.constant 0 : i32
      %eq3A_91 = arith.cmpi eq, %jit3A_90, %eq3A : i32
      %jit3A_92 = arith.constant 1 : i32
      %select_n3A_93 = arith.select %eq3A_91, %jit3A_92, %jit3A_90 : i32
      %rem3A_94 = arith.remsi %mul3A_55, %select_n3A_93 : i32
      %ne3A_95 = arith.constant 0 : i32
      %ne3A_96 = arith.cmpi ne, %rem3A_94, %ne3A_95 : i32
      %lt3A = arith.constant 0 : i32
      %lt3A_97 = arith.cmpi slt, %rem3A_94, %lt3A : i32
      %lt3A_98 = arith.constant 0 : i32
      %lt3A_99 = arith.cmpi slt, %select_n3A_93, %lt3A_98 : i32
      %ne3A_100 = arith.xori %lt3A_97, %lt3A_99 : i1
      %and3A_101 = arith.andi %ne3A_100, %ne3A_96 : i1
      %add3A_102 = arith.addi %rem3A_94, %select_n3A_93 : i32
      %select_n3A_103 = arith.select %and3A_101, %add3A_102, %rem3A_94 : i32
      %mul3A_104 = arith.constant 4 : i32
      %mul3A_105 = arith.muli %select_n3A_103, %mul3A_104 : i32
      %add3A_106 = arith.addi %mul3A_89, %mul3A_105 : i32
      %jit3A_107 = arith.constant 2 : i32
      %eq3A_108 = arith.constant 0 : i32
      %eq3A_109 = arith.cmpi eq, %jit3A_107, %eq3A_108 : i32
      %jit3A_110 = arith.constant 1 : i32
      %select_n3A_111 = arith.select %eq3A_109, %jit3A_110, %jit3A_107 : i32
      %rem3A_112 = arith.remsi %mul3A_55, %select_n3A_111 : i32
      %ne3A_113 = arith.constant 0 : i32
      %ne3A_114 = arith.cmpi ne, %rem3A_112, %ne3A_113 : i32
      %lt3A_115 = arith.constant 0 : i32
      %lt3A_116 = arith.cmpi slt, %rem3A_112, %lt3A_115 : i32
      %lt3A_117 = arith.constant 0 : i32
      %lt3A_118 = arith.cmpi slt, %select_n3A_111, %lt3A_117 : i32
      %ne3A_119 = arith.xori %lt3A_116, %lt3A_118 : i1
      %and3A_120 = arith.andi %ne3A_119, %ne3A_114 : i1
      %add3A_121 = arith.addi %rem3A_112, %select_n3A_111 : i32
      %select_n3A_122 = arith.select %and3A_120, %add3A_121, %rem3A_112 : i32
      %eq3A_123 = arith.constant 0 : i32
      %eq3A_124 = arith.cmpi eq, %select_n3A_122, %eq3A_123 : i32
      %ge3A = arith.constant 4 : i32
      %ge3A_125 = arith.cmpi sge, %mul3A_55, %ge3A : i32
      %and3A_126 = arith.andi %eq3A_124, %ge3A_125 : i1
      %convert_element_type3A = arith.extui %and3A_126 : i1 to i32
      %cond3A = arith.constant 0 : i32
      %cond3A_127 = arith.cmpi ne, %convert_element_type3A, %cond3A : i32
      scf.if %cond3A_127 {
        %sub3A_266 = arith.constant 4 : i32
        %sub3A_267 = arith.subi %mul3A_55, %sub3A_266 : i32
        %mul3A_268 = arith.constant 4 : i32
        %mul3A_269 = arith.muli %sub3A_267, %mul3A_268 : i32
        %add3A_270 = arith.addi %multiple_of3A_11, %mul3A_269 : i32
        %multiple_of3A_271 = tpu.assume_multiple %add3A_270, 8 : i32
        %eq3A_272 = arith.constant 0 : i32
        %eq3A_273 = arith.cmpi eq, %rem3A_87, %eq3A_272 : i32
        %convert_element_type3A_274 = arith.extui %eq3A_273 : i1 to i32
        %cond3A_275 = arith.constant 0 : i32
        %cond3A_276 = arith.cmpi ne, %convert_element_type3A_274, %cond3A_275 : i32
        scf.if %cond3A_276 {
          %dma_wait3A_282 = arith.constant 0 : i32
          %dma_wait3A_283 = arith.constant 0 : i32
          %dma_wait3A_284 = tpu.memref_slice %arg8[%dma_wait3A_282, %dma_wait3A_283] : memref<16x128xf32, #tpu.memory_space<vmem>> -> memref<8x128xf32, #tpu.memory_space<vmem>>
          %dma_wait3A_285 = arith.constant 0 : i32
          %dma_wait3A_286 = tpu.memref_slice %arg4[%multiple_of3A_271, %dma_wait3A_285] : memref<10000x128xf32, #tpu.memory_space<hbm>> -> memref<8x128xf32, #tpu.memory_space<hbm>>
          %dma_wait3A_287 = arith.constant 0 : i32
          %dma_wait3A_288 = tpu.memref_slice %arg4[%multiple_of3A_271, %dma_wait3A_287] : memref<10000x128xf32, #tpu.memory_space<hbm>> -> memref<8x128xf32, #tpu.memory_space<hbm>>
          %dma_wait3A_289 = arith.constant 0 : i32
          %dma_wait3A_290 = arith.constant 0 : i32
          %dma_wait3A_291 = tpu.memref_slice %arg8[%dma_wait3A_289, %dma_wait3A_290] : memref<16x128xf32, #tpu.memory_space<vmem>> -> memref<8x128xf32, #tpu.memory_space<vmem>>
          tpu.wait_dma2 semaphore(%arg12 : memref<!tpu.dma_semaphore, #tpu.memory_space<semaphore_mem>>) src(%dma_wait3A_291 : memref<8x128xf32, #tpu.memory_space<vmem>>) dst(%dma_wait3A_288 : memref<8x128xf32, #tpu.memory_space<hbm>>)
        } else {
        }
        %eq3A_277 = arith.constant 1 : i32
        %eq3A_278 = arith.cmpi eq, %rem3A_87, %eq3A_277 : i32
        %convert_element_type3A_279 = arith.extui %eq3A_278 : i1 to i32
        %cond3A_280 = arith.constant 0 : i32
        %cond3A_281 = arith.cmpi ne, %convert_element_type3A_279, %cond3A_280 : i32
        scf.if %cond3A_281 {
          %dma_wait3A_282 = arith.constant 8 : i32
          %dma_wait3A_283 = arith.constant 0 : i32
          %dma_wait3A_284 = tpu.memref_slice %arg8[%dma_wait3A_282, %dma_wait3A_283] : memref<16x128xf32, #tpu.memory_space<vmem>> -> memref<8x128xf32, #tpu.memory_space<vmem>>
          %dma_wait3A_285 = arith.constant 0 : i32
          %dma_wait3A_286 = tpu.memref_slice %arg4[%multiple_of3A_271, %dma_wait3A_285] : memref<10000x128xf32, #tpu.memory_space<hbm>> -> memref<8x128xf32, #tpu.memory_space<hbm>>
          %dma_wait3A_287 = arith.constant 0 : i32
          %dma_wait3A_288 = tpu.memref_slice %arg4[%multiple_of3A_271, %dma_wait3A_287] : memref<10000x128xf32, #tpu.memory_space<hbm>> -> memref<8x128xf32, #tpu.memory_space<hbm>>
          %dma_wait3A_289 = arith.constant 8 : i32
          %dma_wait3A_290 = arith.constant 0 : i32
          %dma_wait3A_291 = tpu.memref_slice %arg8[%dma_wait3A_289, %dma_wait3A_290] : memref<16x128xf32, #tpu.memory_space<vmem>> -> memref<8x128xf32, #tpu.memory_space<vmem>>
          tpu.wait_dma2 semaphore(%arg13 : memref<!tpu.dma_semaphore, #tpu.memory_space<semaphore_mem>>) src(%dma_wait3A_291 : memref<8x128xf32, #tpu.memory_space<vmem>>) dst(%dma_wait3A_288 : memref<8x128xf32, #tpu.memory_space<hbm>>)
        } else {
        }
      } else {
      }
      %scan3A_128 = arith.constant 0 : i32
      %scan3A_129 = arith.constant 0 : i32
      %scan3A_130 = arith.constant 4 : i32
      %scan3A_131 = arith.addi %scan3A_129, %scan3A_130 : i32
      %scan3A_132 = arith.constant 1 : i32
      scf.for %scan3A_266 = %scan3A_129 to %scan3A_131 step %scan3A_132  : i32 {
        %broadcast_in_dim3A = arith.constant 0.000000e+00 : f32
        %broadcast_in_dim3A_267 = vector.broadcast %broadcast_in_dim3A : f32 to vector<16xf32>
        %broadcast_in_dim3A_268 = arith.constant 0.000000e+00 : f32
        %broadcast_in_dim3A_269 = vector.broadcast %broadcast_in_dim3A_268 : f32 to vector<16xf32>
        %broadcast_in_dim3A_270 = arith.constant 0.000000e+00 : f32
        %broadcast_in_dim3A_271 = vector.broadcast %broadcast_in_dim3A_270 : f32 to vector<16xf32>
        %broadcast_in_dim3A_272 = arith.constant 0.000000e+00 : f32
        %broadcast_in_dim3A_273 = vector.broadcast %broadcast_in_dim3A_272 : f32 to vector<16xf32>
        %broadcast_in_dim3A_274 = arith.constant 0.000000e+00 : f32
        %broadcast_in_dim3A_275 = vector.broadcast %broadcast_in_dim3A_274 : f32 to vector<16xf32>
        %broadcast_in_dim3A_276 = arith.constant 0.000000e+00 : f32
        %broadcast_in_dim3A_277 = vector.broadcast %broadcast_in_dim3A_276 : f32 to vector<16xf32>
        %broadcast_in_dim3A_278 = arith.constant 0.000000e+00 : f32
        %broadcast_in_dim3A_279 = vector.broadcast %broadcast_in_dim3A_278 : f32 to vector<16xf32>
        %broadcast_in_dim3A_280 = arith.constant 0.000000e+00 : f32
        %broadcast_in_dim3A_281 = vector.broadcast %broadcast_in_dim3A_280 : f32 to vector<16xf32>
        %scan3A_282 = arith.constant 0 : i32
        %scan3A_283 = arith.constant 4 : i32
        %scan3A_284 = arith.addi %scan3A_282, %scan3A_283 : i32
        %scan3A_285 = arith.constant 1 : i32
        %scan3A_286:8 = scf.for %scan3A_335 = %scan3A_282 to %scan3A_284 step %scan3A_285 iter_args(%scan3A_336 = %broadcast_in_dim3A_267, %scan3A_337 = %broadcast_in_dim3A_269, %scan3A_338 = %broadcast_in_dim3A_271, %scan3A_339 = %broadcast_in_dim3A_273, %scan3A_340 = %broadcast_in_dim3A_275, %scan3A_341 = %broadcast_in_dim3A_277, %scan3A_342 = %broadcast_in_dim3A_279, %scan3A_343 = %broadcast_in_dim3A_281) -> (vector<16xf32>, vector<16xf32>, vector<16xf32>, vector<16xf32>, vector<16xf32>, vector<16xf32>, vector<16xf32>, vector<16xf32>)  : i32 {
          %mul3A_344 = arith.constant 32 : i32
          %mul3A_345 = arith.muli %scan3A_266, %mul3A_344 : i32
          %mul3A_346 = arith.constant 8 : i32
          %mul3A_347 = arith.muli %scan3A_335, %mul3A_346 : i32
          %add3A_348 = arith.addi %mul3A_345, %mul3A_347 : i32
          %add3A_349 = arith.constant 0 : i32
          %add3A_350 = arith.addi %add3A_348, %add3A_349 : i32
          %get3A = arith.index_cast %add3A_350 : i32 to index
          %get3A_351 = arith.constant 0 : index
          %get3A_352 = tpu.vector_load %arg6[%get3A, %get3A_351] {strides = array<i32>} : memref<128x128xf32, #tpu.memory_space<vmem>>, vector<1x16xf32>,
          %get3A_353 = vector.shape_cast %get3A_352 : vector<1x16xf32> to vector<16xf32>
          %add3A_354 = arith.addf %scan3A_336, %get3A_353 : vector<16xf32>
          %add3A_355 = arith.constant 0 : i32
          %add3A_356 = arith.addi %add3A_348, %add3A_355 : i32
          %get3A_357 = arith.index_cast %add3A_356 : i32 to index
          %get3A_358 = arith.constant 16 : index
          %get3A_359 = tpu.vector_load %arg6[%get3A_357, %get3A_358] {strides = array<i32>} : memref<128x128xf32, #tpu.memory_space<vmem>>, vector<1x16xf32>,
          %get3A_360 = vector.shape_cast %get3A_359 : vector<1x16xf32> to vector<16xf32>
          %add3A_361 = arith.addf %scan3A_337, %get3A_360 : vector<16xf32>
          %add3A_362 = arith.constant 0 : i32
          %add3A_363 = arith.addi %add3A_348, %add3A_362 : i32
          %get3A_364 = arith.index_cast %add3A_363 : i32 to index
          %get3A_365 = arith.constant 32 : index
          %get3A_366 = tpu.vector_load %arg6[%get3A_364, %get3A_365] {strides = array<i32>} : memref<128x128xf32, #tpu.memory_space<vmem>>, vector<1x16xf32>,
          %get3A_367 = vector.shape_cast %get3A_366 : vector<1x16xf32> to vector<16xf32>
          %add3A_368 = arith.addf %scan3A_338, %get3A_367 : vector<16xf32>
          %add3A_369 = arith.constant 0 : i32
          %add3A_370 = arith.addi %add3A_348, %add3A_369 : i32
          %get3A_371 = arith.index_cast %add3A_370 : i32 to index
          %get3A_372 = arith.constant 48 : index
          %get3A_373 = tpu.vector_load %arg6[%get3A_371, %get3A_372] {strides = array<i32>} : memref<128x128xf32, #tpu.memory_space<vmem>>, vector<1x16xf32>,
          %get3A_374 = vector.shape_cast %get3A_373 : vector<1x16xf32> to vector<16xf32>
          %add3A_375 = arith.addf %scan3A_339, %get3A_374 : vector<16xf32>
          %add3A_376 = arith.constant 0 : i32
          %add3A_377 = arith.addi %add3A_348, %add3A_376 : i32
          %get3A_378 = arith.index_cast %add3A_377 : i32 to index
          %get3A_379 = arith.constant 64 : index
          %get3A_380 = tpu.vector_load %arg6[%get3A_378, %get3A_379] {strides = array<i32>} : memref<128x128xf32, #tpu.memory_space<vmem>>, vector<1x16xf32>,
          %get3A_381 = vector.shape_cast %get3A_380 : vector<1x16xf32> to vector<16xf32>
          %add3A_382 = arith.addf %scan3A_340, %get3A_381 : vector<16xf32>
          %add3A_383 = arith.constant 0 : i32
          %add3A_384 = arith.addi %add3A_348, %add3A_383 : i32
          %get3A_385 = arith.index_cast %add3A_384 : i32 to index
          %get3A_386 = arith.constant 80 : index
          %get3A_387 = tpu.vector_load %arg6[%get3A_385, %get3A_386] {strides = array<i32>} : memref<128x128xf32, #tpu.memory_space<vmem>>, vector<1x16xf32>,
          %get3A_388 = vector.shape_cast %get3A_387 : vector<1x16xf32> to vector<16xf32>
          %add3A_389 = arith.addf %scan3A_341, %get3A_388 : vector<16xf32>
          %add3A_390 = arith.constant 0 : i32
          %add3A_391 = arith.addi %add3A_348, %add3A_390 : i32
          %get3A_392 = arith.index_cast %add3A_391 : i32 to index
          %get3A_393 = arith.constant 96 : index
          %get3A_394 = tpu.vector_load %arg6[%get3A_392, %get3A_393] {strides = array<i32>} : memref<128x128xf32, #tpu.memory_space<vmem>>, vector<1x16xf32>,
          %get3A_395 = vector.shape_cast %get3A_394 : vector<1x16xf32> to vector<16xf32>
          %add3A_396 = arith.addf %scan3A_342, %get3A_395 : vector<16xf32>
          %add3A_397 = arith.constant 0 : i32
          %add3A_398 = arith.addi %add3A_348, %add3A_397 : i32
          %get3A_399 = arith.index_cast %add3A_398 : i32 to index
          %get3A_400 = arith.constant 112 : index
          %get3A_401 = tpu.vector_load %arg6[%get3A_399, %get3A_400] {strides = array<i32>} : memref<128x128xf32, #tpu.memory_space<vmem>>, vector<1x16xf32>,
          %get3A_402 = vector.shape_cast %get3A_401 : vector<1x16xf32> to vector<16xf32>
          %add3A_403 = arith.addf %scan3A_343, %get3A_402 : vector<16xf32>
          %add3A_404 = arith.constant 1 : i32
          %add3A_405 = arith.addi %add3A_348, %add3A_404 : i32
          %get3A_406 = arith.index_cast %add3A_405 : i32 to index
          %get3A_407 = arith.constant 0 : index
          %get3A_408 = tpu.vector_load %arg6[%get3A_406, %get3A_407] {strides = array<i32>} : memref<128x128xf32, #tpu.memory_space<vmem>>, vector<1x16xf32>,
          %get3A_409 = vector.shape_cast %get3A_408 : vector<1x16xf32> to vector<16xf32>
          %add3A_410 = arith.addf %add3A_354, %get3A_409 : vector<16xf32>
          %add3A_411 = arith.constant 1 : i32
          %add3A_412 = arith.addi %add3A_348, %add3A_411 : i32
          %get3A_413 = arith.index_cast %add3A_412 : i32 to index
          %get3A_414 = arith.constant 16 : index
          %get3A_415 = tpu.vector_load %arg6[%get3A_413, %get3A_414] {strides = array<i32>} : memref<128x128xf32, #tpu.memory_space<vmem>>, vector<1x16xf32>,
          %get3A_416 = vector.shape_cast %get3A_415 : vector<1x16xf32> to vector<16xf32>
          %add3A_417 = arith.addf %add3A_361, %get3A_416 : vector<16xf32>
          %add3A_418 = arith.constant 1 : i32
          %add3A_419 = arith.addi %add3A_348, %add3A_418 : i32
          %get3A_420 = arith.index_cast %add3A_419 : i32 to index
          %get3A_421 = arith.constant 32 : index
          %get3A_422 = tpu.vector_load %arg6[%get3A_420, %get3A_421] {strides = array<i32>} : memref<128x128xf32, #tpu.memory_space<vmem>>, vector<1x16xf32>,
          %get3A_423 = vector.shape_cast %get3A_422 : vector<1x16xf32> to vector<16xf32>
          %add3A_424 = arith.addf %add3A_368, %get3A_423 : vector<16xf32>
          %add3A_425 = arith.constant 1 : i32
          %add3A_426 = arith.addi %add3A_348, %add3A_425 : i32
          %get3A_427 = arith.index_cast %add3A_426 : i32 to index
          %get3A_428 = arith.constant 48 : index
          %get3A_429 = tpu.vector_load %arg6[%get3A_427, %get3A_428] {strides = array<i32>} : memref<128x128xf32, #tpu.memory_space<vmem>>, vector<1x16xf32>,
          %get3A_430 = vector.shape_cast %get3A_429 : vector<1x16xf32> to vector<16xf32>
          %add3A_431 = arith.addf %add3A_375, %get3A_430 : vector<16xf32>
          %add3A_432 = arith.constant 1 : i32
          %add3A_433 = arith.addi %add3A_348, %add3A_432 : i32
          %get3A_434 = arith.index_cast %add3A_433 : i32 to index
          %get3A_435 = arith.constant 64 : index
          %get3A_436 = tpu.vector_load %arg6[%get3A_434, %get3A_435] {strides = array<i32>} : memref<128x128xf32, #tpu.memory_space<vmem>>, vector<1x16xf32>,
          %get3A_437 = vector.shape_cast %get3A_436 : vector<1x16xf32> to vector<16xf32>
          %add3A_438 = arith.addf %add3A_382, %get3A_437 : vector<16xf32>
          %add3A_439 = arith.constant 1 : i32
          %add3A_440 = arith.addi %add3A_348, %add3A_439 : i32
          %get3A_441 = arith.index_cast %add3A_440 : i32 to index
          %get3A_442 = arith.constant 80 : index
          %get3A_443 = tpu.vector_load %arg6[%get3A_441, %get3A_442] {strides = array<i32>} : memref<128x128xf32, #tpu.memory_space<vmem>>, vector<1x16xf32>,
          %get3A_444 = vector.shape_cast %get3A_443 : vector<1x16xf32> to vector<16xf32>
          %add3A_445 = arith.addf %add3A_389, %get3A_444 : vector<16xf32>
          %add3A_446 = arith.constant 1 : i32
          %add3A_447 = arith.addi %add3A_348, %add3A_446 : i32
          %get3A_448 = arith.index_cast %add3A_447 : i32 to index
          %get3A_449 = arith.constant 96 : index
          %get3A_450 = tpu.vector_load %arg6[%get3A_448, %get3A_449] {strides = array<i32>} : memref<128x128xf32, #tpu.memory_space<vmem>>, vector<1x16xf32>,
          %get3A_451 = vector.shape_cast %get3A_450 : vector<1x16xf32> to vector<16xf32>
          %add3A_452 = arith.addf %add3A_396, %get3A_451 : vector<16xf32>
          %add3A_453 = arith.constant 1 : i32
          %add3A_454 = arith.addi %add3A_348, %add3A_453 : i32
          %get3A_455 = arith.index_cast %add3A_454 : i32 to index
          %get3A_456 = arith.constant 112 : index
          %get3A_457 = tpu.vector_load %arg6[%get3A_455, %get3A_456] {strides = array<i32>} : memref<128x128xf32, #tpu.memory_space<vmem>>, vector<1x16xf32>,
          %get3A_458 = vector.shape_cast %get3A_457 : vector<1x16xf32> to vector<16xf32>
          %add3A_459 = arith.addf %add3A_403, %get3A_458 : vector<16xf32>
          %add3A_460 = arith.constant 2 : i32
          %add3A_461 = arith.addi %add3A_348, %add3A_460 : i32
          %get3A_462 = arith.index_cast %add3A_461 : i32 to index
          %get3A_463 = arith.constant 0 : index
          %get3A_464 = tpu.vector_load %arg6[%get3A_462, %get3A_463] {strides = array<i32>} : memref<128x128xf32, #tpu.memory_space<vmem>>, vector<1x16xf32>,
          %get3A_465 = vector.shape_cast %get3A_464 : vector<1x16xf32> to vector<16xf32>
          %add3A_466 = arith.addf %add3A_410, %get3A_465 : vector<16xf32>
          %add3A_467 = arith.constant 2 : i32
          %add3A_468 = arith.addi %add3A_348, %add3A_467 : i32
          %get3A_469 = arith.index_cast %add3A_468 : i32 to index
          %get3A_470 = arith.constant 16 : index
          %get3A_471 = tpu.vector_load %arg6[%get3A_469, %get3A_470] {strides = array<i32>} : memref<128x128xf32, #tpu.memory_space<vmem>>, vector<1x16xf32>,
          %get3A_472 = vector.shape_cast %get3A_471 : vector<1x16xf32> to vector<16xf32>
          %add3A_473 = arith.addf %add3A_417, %get3A_472 : vector<16xf32>
          %add3A_474 = arith.constant 2 : i32
          %add3A_475 = arith.addi %add3A_348, %add3A_474 : i32
          %get3A_476 = arith.index_cast %add3A_475 : i32 to index
          %get3A_477 = arith.constant 32 : index
          %get3A_478 = tpu.vector_load %arg6[%get3A_476, %get3A_477] {strides = array<i32>} : memref<128x128xf32, #tpu.memory_space<vmem>>, vector<1x16xf32>,
          %get3A_479 = vector.shape_cast %get3A_478 : vector<1x16xf32> to vector<16xf32>
          %add3A_480 = arith.addf %add3A_424, %get3A_479 : vector<16xf32>
          %add3A_481 = arith.constant 2 : i32
          %add3A_482 = arith.addi %add3A_348, %add3A_481 : i32
          %get3A_483 = arith.index_cast %add3A_482 : i32 to index
          %get3A_484 = arith.constant 48 : index
          %get3A_485 = tpu.vector_load %arg6[%get3A_483, %get3A_484] {strides = array<i32>} : memref<128x128xf32, #tpu.memory_space<vmem>>, vector<1x16xf32>,
          %get3A_486 = vector.shape_cast %get3A_485 : vector<1x16xf32> to vector<16xf32>
          %add3A_487 = arith.addf %add3A_431, %get3A_486 : vector<16xf32>
          %add3A_488 = arith.constant 2 : i32
          %add3A_489 = arith.addi %add3A_348, %add3A_488 : i32
          %get3A_490 = arith.index_cast %add3A_489 : i32 to index
          %get3A_491 = arith.constant 64 : index
          %get3A_492 = tpu.vector_load %arg6[%get3A_490, %get3A_491] {strides = array<i32>} : memref<128x128xf32, #tpu.memory_space<vmem>>, vector<1x16xf32>,
          %get3A_493 = vector.shape_cast %get3A_492 : vector<1x16xf32> to vector<16xf32>
          %add3A_494 = arith.addf %add3A_438, %get3A_493 : vector<16xf32>
          %add3A_495 = arith.constant 2 : i32
          %add3A_496 = arith.addi %add3A_348, %add3A_495 : i32
          %get3A_497 = arith.index_cast %add3A_496 : i32 to index
          %get3A_498 = arith.constant 80 : index
          %get3A_499 = tpu.vector_load %arg6[%get3A_497, %get3A_498] {strides = array<i32>} : memref<128x128xf32, #tpu.memory_space<vmem>>, vector<1x16xf32>,
          %get3A_500 = vector.shape_cast %get3A_499 : vector<1x16xf32> to vector<16xf32>
          %add3A_501 = arith.addf %add3A_445, %get3A_500 : vector<16xf32>
          %add3A_502 = arith.constant 2 : i32
          %add3A_503 = arith.addi %add3A_348, %add3A_502 : i32
          %get3A_504 = arith.index_cast %add3A_503 : i32 to index
          %get3A_505 = arith.constant 96 : index
          %get3A_506 = tpu.vector_load %arg6[%get3A_504, %get3A_505] {strides = array<i32>} : memref<128x128xf32, #tpu.memory_space<vmem>>, vector<1x16xf32>,
          %get3A_507 = vector.shape_cast %get3A_506 : vector<1x16xf32> to vector<16xf32>
          %add3A_508 = arith.addf %add3A_452, %get3A_507 : vector<16xf32>
          %add3A_509 = arith.constant 2 : i32
          %add3A_510 = arith.addi %add3A_348, %add3A_509 : i32
          %get3A_511 = arith.index_cast %add3A_510 : i32 to index
          %get3A_512 = arith.constant 112 : index
          %get3A_513 = tpu.vector_load %arg6[%get3A_511, %get3A_512] {strides = array<i32>} : memref<128x128xf32, #tpu.memory_space<vmem>>, vector<1x16xf32>,
          %get3A_514 = vector.shape_cast %get3A_513 : vector<1x16xf32> to vector<16xf32>
          %add3A_515 = arith.addf %add3A_459, %get3A_514 : vector<16xf32>
          %add3A_516 = arith.constant 3 : i32
          %add3A_517 = arith.addi %add3A_348, %add3A_516 : i32
          %get3A_518 = arith.index_cast %add3A_517 : i32 to index
          %get3A_519 = arith.constant 0 : index
          %get3A_520 = tpu.vector_load %arg6[%get3A_518, %get3A_519] {strides = array<i32>} : memref<128x128xf32, #tpu.memory_space<vmem>>, vector<1x16xf32>,
          %get3A_521 = vector.shape_cast %get3A_520 : vector<1x16xf32> to vector<16xf32>
          %add3A_522 = arith.addf %add3A_466, %get3A_521 : vector<16xf32>
          %add3A_523 = arith.constant 3 : i32
          %add3A_524 = arith.addi %add3A_348, %add3A_523 : i32
          %get3A_525 = arith.index_cast %add3A_524 : i32 to index
          %get3A_526 = arith.constant 16 : index
          %get3A_527 = tpu.vector_load %arg6[%get3A_525, %get3A_526] {strides = array<i32>} : memref<128x128xf32, #tpu.memory_space<vmem>>, vector<1x16xf32>,
          %get3A_528 = vector.shape_cast %get3A_527 : vector<1x16xf32> to vector<16xf32>
          %add3A_529 = arith.addf %add3A_473, %get3A_528 : vector<16xf32>
          %add3A_530 = arith.constant 3 : i32
          %add3A_531 = arith.addi %add3A_348, %add3A_530 : i32
          %get3A_532 = arith.index_cast %add3A_531 : i32 to index
          %get3A_533 = arith.constant 32 : index
          %get3A_534 = tpu.vector_load %arg6[%get3A_532, %get3A_533] {strides = array<i32>} : memref<128x128xf32, #tpu.memory_space<vmem>>, vector<1x16xf32>,
          %get3A_535 = vector.shape_cast %get3A_534 : vector<1x16xf32> to vector<16xf32>
          %add3A_536 = arith.addf %add3A_480, %get3A_535 : vector<16xf32>
          %add3A_537 = arith.constant 3 : i32
          %add3A_538 = arith.addi %add3A_348, %add3A_537 : i32
          %get3A_539 = arith.index_cast %add3A_538 : i32 to index
          %get3A_540 = arith.constant 48 : index
          %get3A_541 = tpu.vector_load %arg6[%get3A_539, %get3A_540] {strides = array<i32>} : memref<128x128xf32, #tpu.memory_space<vmem>>, vector<1x16xf32>,
          %get3A_542 = vector.shape_cast %get3A_541 : vector<1x16xf32> to vector<16xf32>
          %add3A_543 = arith.addf %add3A_487, %get3A_542 : vector<16xf32>
          %add3A_544 = arith.constant 3 : i32
          %add3A_545 = arith.addi %add3A_348, %add3A_544 : i32
          %get3A_546 = arith.index_cast %add3A_545 : i32 to index
          %get3A_547 = arith.constant 64 : index
          %get3A_548 = tpu.vector_load %arg6[%get3A_546, %get3A_547] {strides = array<i32>} : memref<128x128xf32, #tpu.memory_space<vmem>>, vector<1x16xf32>,
          %get3A_549 = vector.shape_cast %get3A_548 : vector<1x16xf32> to vector<16xf32>
          %add3A_550 = arith.addf %add3A_494, %get3A_549 : vector<16xf32>
          %add3A_551 = arith.constant 3 : i32
          %add3A_552 = arith.addi %add3A_348, %add3A_551 : i32
          %get3A_553 = arith.index_cast %add3A_552 : i32 to index
          %get3A_554 = arith.constant 80 : index
          %get3A_555 = tpu.vector_load %arg6[%get3A_553, %get3A_554] {strides = array<i32>} : memref<128x128xf32, #tpu.memory_space<vmem>>, vector<1x16xf32>,
          %get3A_556 = vector.shape_cast %get3A_555 : vector<1x16xf32> to vector<16xf32>
          %add3A_557 = arith.addf %add3A_501, %get3A_556 : vector<16xf32>
          %add3A_558 = arith.constant 3 : i32
          %add3A_559 = arith.addi %add3A_348, %add3A_558 : i32
          %get3A_560 = arith.index_cast %add3A_559 : i32 to index
          %get3A_561 = arith.constant 96 : index
          %get3A_562 = tpu.vector_load %arg6[%get3A_560, %get3A_561] {strides = array<i32>} : memref<128x128xf32, #tpu.memory_space<vmem>>, vector<1x16xf32>,
          %get3A_563 = vector.shape_cast %get3A_562 : vector<1x16xf32> to vector<16xf32>
          %add3A_564 = arith.addf %add3A_508, %get3A_563 : vector<16xf32>
          %add3A_565 = arith.constant 3 : i32
          %add3A_566 = arith.addi %add3A_348, %add3A_565 : i32
          %get3A_567 = arith.index_cast %add3A_566 : i32 to index
          %get3A_568 = arith.constant 112 : index
          %get3A_569 = tpu.vector_load %arg6[%get3A_567, %get3A_568] {strides = array<i32>} : memref<128x128xf32, #tpu.memory_space<vmem>>, vector<1x16xf32>,
          %get3A_570 = vector.shape_cast %get3A_569 : vector<1x16xf32> to vector<16xf32>
          %add3A_571 = arith.addf %add3A_515, %get3A_570 : vector<16xf32>
          %add3A_572 = arith.constant 4 : i32
          %add3A_573 = arith.addi %add3A_348, %add3A_572 : i32
          %get3A_574 = arith.index_cast %add3A_573 : i32 to index
          %get3A_575 = arith.constant 0 : index
          %get3A_576 = tpu.vector_load %arg6[%get3A_574, %get3A_575] {strides = array<i32>} : memref<128x128xf32, #tpu.memory_space<vmem>>, vector<1x16xf32>,
          %get3A_577 = vector.shape_cast %get3A_576 : vector<1x16xf32> to vector<16xf32>
          %add3A_578 = arith.addf %add3A_522, %get3A_577 : vector<16xf32>
          %add3A_579 = arith.constant 4 : i32
          %add3A_580 = arith.addi %add3A_348, %add3A_579 : i32
          %get3A_581 = arith.index_cast %add3A_580 : i32 to index
          %get3A_582 = arith.constant 16 : index
          %get3A_583 = tpu.vector_load %arg6[%get3A_581, %get3A_582] {strides = array<i32>} : memref<128x128xf32, #tpu.memory_space<vmem>>, vector<1x16xf32>,
          %get3A_584 = vector.shape_cast %get3A_583 : vector<1x16xf32> to vector<16xf32>
          %add3A_585 = arith.addf %add3A_529, %get3A_584 : vector<16xf32>
          %add3A_586 = arith.constant 4 : i32
          %add3A_587 = arith.addi %add3A_348, %add3A_586 : i32
          %get3A_588 = arith.index_cast %add3A_587 : i32 to index
          %get3A_589 = arith.constant 32 : index
          %get3A_590 = tpu.vector_load %arg6[%get3A_588, %get3A_589] {strides = array<i32>} : memref<128x128xf32, #tpu.memory_space<vmem>>, vector<1x16xf32>,
          %get3A_591 = vector.shape_cast %get3A_590 : vector<1x16xf32> to vector<16xf32>
          %add3A_592 = arith.addf %add3A_536, %get3A_591 : vector<16xf32>
          %add3A_593 = arith.constant 4 : i32
          %add3A_594 = arith.addi %add3A_348, %add3A_593 : i32
          %get3A_595 = arith.index_cast %add3A_594 : i32 to index
          %get3A_596 = arith.constant 48 : index
          %get3A_597 = tpu.vector_load %arg6[%get3A_595, %get3A_596] {strides = array<i32>} : memref<128x128xf32, #tpu.memory_space<vmem>>, vector<1x16xf32>,
          %get3A_598 = vector.shape_cast %get3A_597 : vector<1x16xf32> to vector<16xf32>
          %add3A_599 = arith.addf %add3A_543, %get3A_598 : vector<16xf32>
          %add3A_600 = arith.constant 4 : i32
          %add3A_601 = arith.addi %add3A_348, %add3A_600 : i32
          %get3A_602 = arith.index_cast %add3A_601 : i32 to index
          %get3A_603 = arith.constant 64 : index
          %get3A_604 = tpu.vector_load %arg6[%get3A_602, %get3A_603] {strides = array<i32>} : memref<128x128xf32, #tpu.memory_space<vmem>>, vector<1x16xf32>,
          %get3A_605 = vector.shape_cast %get3A_604 : vector<1x16xf32> to vector<16xf32>
          %add3A_606 = arith.addf %add3A_550, %get3A_605 : vector<16xf32>
          %add3A_607 = arith.constant 4 : i32
          %add3A_608 = arith.addi %add3A_348, %add3A_607 : i32
          %get3A_609 = arith.index_cast %add3A_608 : i32 to index
          %get3A_610 = arith.constant 80 : index
          %get3A_611 = tpu.vector_load %arg6[%get3A_609, %get3A_610] {strides = array<i32>} : memref<128x128xf32, #tpu.memory_space<vmem>>, vector<1x16xf32>,
          %get3A_612 = vector.shape_cast %get3A_611 : vector<1x16xf32> to vector<16xf32>
          %add3A_613 = arith.addf %add3A_557, %get3A_612 : vector<16xf32>
          %add3A_614 = arith.constant 4 : i32
          %add3A_615 = arith.addi %add3A_348, %add3A_614 : i32
          %get3A_616 = arith.index_cast %add3A_615 : i32 to index
          %get3A_617 = arith.constant 96 : index
          %get3A_618 = tpu.vector_load %arg6[%get3A_616, %get3A_617] {strides = array<i32>} : memref<128x128xf32, #tpu.memory_space<vmem>>, vector<1x16xf32>,
          %get3A_619 = vector.shape_cast %get3A_618 : vector<1x16xf32> to vector<16xf32>
          %add3A_620 = arith.addf %add3A_564, %get3A_619 : vector<16xf32>
          %add3A_621 = arith.constant 4 : i32
          %add3A_622 = arith.addi %add3A_348, %add3A_621 : i32
          %get3A_623 = arith.index_cast %add3A_622 : i32 to index
          %get3A_624 = arith.constant 112 : index
          %get3A_625 = tpu.vector_load %arg6[%get3A_623, %get3A_624] {strides = array<i32>} : memref<128x128xf32, #tpu.memory_space<vmem>>, vector<1x16xf32>,
          %get3A_626 = vector.shape_cast %get3A_625 : vector<1x16xf32> to vector<16xf32>
          %add3A_627 = arith.addf %add3A_571, %get3A_626 : vector<16xf32>
          %add3A_628 = arith.constant 5 : i32
          %add3A_629 = arith.addi %add3A_348, %add3A_628 : i32
          %get3A_630 = arith.index_cast %add3A_629 : i32 to index
          %get3A_631 = arith.constant 0 : index
          %get3A_632 = tpu.vector_load %arg6[%get3A_630, %get3A_631] {strides = array<i32>} : memref<128x128xf32, #tpu.memory_space<vmem>>, vector<1x16xf32>,
          %get3A_633 = vector.shape_cast %get3A_632 : vector<1x16xf32> to vector<16xf32>
          %add3A_634 = arith.addf %add3A_578, %get3A_633 : vector<16xf32>
          %add3A_635 = arith.constant 5 : i32
          %add3A_636 = arith.addi %add3A_348, %add3A_635 : i32
          %get3A_637 = arith.index_cast %add3A_636 : i32 to index
          %get3A_638 = arith.constant 16 : index
          %get3A_639 = tpu.vector_load %arg6[%get3A_637, %get3A_638] {strides = array<i32>} : memref<128x128xf32, #tpu.memory_space<vmem>>, vector<1x16xf32>,
          %get3A_640 = vector.shape_cast %get3A_639 : vector<1x16xf32> to vector<16xf32>
          %add3A_641 = arith.addf %add3A_585, %get3A_640 : vector<16xf32>
          %add3A_642 = arith.constant 5 : i32
          %add3A_643 = arith.addi %add3A_348, %add3A_642 : i32
          %get3A_644 = arith.index_cast %add3A_643 : i32 to index
          %get3A_645 = arith.constant 32 : index
          %get3A_646 = tpu.vector_load %arg6[%get3A_644, %get3A_645] {strides = array<i32>} : memref<128x128xf32, #tpu.memory_space<vmem>>, vector<1x16xf32>,
          %get3A_647 = vector.shape_cast %get3A_646 : vector<1x16xf32> to vector<16xf32>
          %add3A_648 = arith.addf %add3A_592, %get3A_647 : vector<16xf32>
          %add3A_649 = arith.constant 5 : i32
          %add3A_650 = arith.addi %add3A_348, %add3A_649 : i32
          %get3A_651 = arith.index_cast %add3A_650 : i32 to index
          %get3A_652 = arith.constant 48 : index
          %get3A_653 = tpu.vector_load %arg6[%get3A_651, %get3A_652] {strides = array<i32>} : memref<128x128xf32, #tpu.memory_space<vmem>>, vector<1x16xf32>,
          %get3A_654 = vector.shape_cast %get3A_653 : vector<1x16xf32> to vector<16xf32>
          %add3A_655 = arith.addf %add3A_599, %get3A_654 : vector<16xf32>
          %add3A_656 = arith.constant 5 : i32
          %add3A_657 = arith.addi %add3A_348, %add3A_656 : i32
          %get3A_658 = arith.index_cast %add3A_657 : i32 to index
          %get3A_659 = arith.constant 64 : index
          %get3A_660 = tpu.vector_load %arg6[%get3A_658, %get3A_659] {strides = array<i32>} : memref<128x128xf32, #tpu.memory_space<vmem>>, vector<1x16xf32>,
          %get3A_661 = vector.shape_cast %get3A_660 : vector<1x16xf32> to vector<16xf32>
          %add3A_662 = arith.addf %add3A_606, %get3A_661 : vector<16xf32>
          %add3A_663 = arith.constant 5 : i32
          %add3A_664 = arith.addi %add3A_348, %add3A_663 : i32
          %get3A_665 = arith.index_cast %add3A_664 : i32 to index
          %get3A_666 = arith.constant 80 : index
          %get3A_667 = tpu.vector_load %arg6[%get3A_665, %get3A_666] {strides = array<i32>} : memref<128x128xf32, #tpu.memory_space<vmem>>, vector<1x16xf32>,
          %get3A_668 = vector.shape_cast %get3A_667 : vector<1x16xf32> to vector<16xf32>
          %add3A_669 = arith.addf %add3A_613, %get3A_668 : vector<16xf32>
          %add3A_670 = arith.constant 5 : i32
          %add3A_671 = arith.addi %add3A_348, %add3A_670 : i32
          %get3A_672 = arith.index_cast %add3A_671 : i32 to index
          %get3A_673 = arith.constant 96 : index
          %get3A_674 = tpu.vector_load %arg6[%get3A_672, %get3A_673] {strides = array<i32>} : memref<128x128xf32, #tpu.memory_space<vmem>>, vector<1x16xf32>,
          %get3A_675 = vector.shape_cast %get3A_674 : vector<1x16xf32> to vector<16xf32>
          %add3A_676 = arith.addf %add3A_620, %get3A_675 : vector<16xf32>
          %add3A_677 = arith.constant 5 : i32
          %add3A_678 = arith.addi %add3A_348, %add3A_677 : i32
          %get3A_679 = arith.index_cast %add3A_678 : i32 to index
          %get3A_680 = arith.constant 112 : index
          %get3A_681 = tpu.vector_load %arg6[%get3A_679, %get3A_680] {strides = array<i32>} : memref<128x128xf32, #tpu.memory_space<vmem>>, vector<1x16xf32>,
          %get3A_682 = vector.shape_cast %get3A_681 : vector<1x16xf32> to vector<16xf32>
          %add3A_683 = arith.addf %add3A_627, %get3A_682 : vector<16xf32>
          %add3A_684 = arith.constant 6 : i32
          %add3A_685 = arith.addi %add3A_348, %add3A_684 : i32
          %get3A_686 = arith.index_cast %add3A_685 : i32 to index
          %get3A_687 = arith.constant 0 : index
          %get3A_688 = tpu.vector_load %arg6[%get3A_686, %get3A_687] {strides = array<i32>} : memref<128x128xf32, #tpu.memory_space<vmem>>, vector<1x16xf32>,
          %get3A_689 = vector.shape_cast %get3A_688 : vector<1x16xf32> to vector<16xf32>
          %add3A_690 = arith.addf %add3A_634, %get3A_689 : vector<16xf32>
          %add3A_691 = arith.constant 6 : i32
          %add3A_692 = arith.addi %add3A_348, %add3A_691 : i32
          %get3A_693 = arith.index_cast %add3A_692 : i32 to index
          %get3A_694 = arith.constant 16 : index
          %get3A_695 = tpu.vector_load %arg6[%get3A_693, %get3A_694] {strides = array<i32>} : memref<128x128xf32, #tpu.memory_space<vmem>>, vector<1x16xf32>,
          %get3A_696 = vector.shape_cast %get3A_695 : vector<1x16xf32> to vector<16xf32>
          %add3A_697 = arith.addf %add3A_641, %get3A_696 : vector<16xf32>
          %add3A_698 = arith.constant 6 : i32
          %add3A_699 = arith.addi %add3A_348, %add3A_698 : i32
          %get3A_700 = arith.index_cast %add3A_699 : i32 to index
          %get3A_701 = arith.constant 32 : index
          %get3A_702 = tpu.vector_load %arg6[%get3A_700, %get3A_701] {strides = array<i32>} : memref<128x128xf32, #tpu.memory_space<vmem>>, vector<1x16xf32>,
          %get3A_703 = vector.shape_cast %get3A_702 : vector<1x16xf32> to vector<16xf32>
          %add3A_704 = arith.addf %add3A_648, %get3A_703 : vector<16xf32>
          %add3A_705 = arith.constant 6 : i32
          %add3A_706 = arith.addi %add3A_348, %add3A_705 : i32
          %get3A_707 = arith.index_cast %add3A_706 : i32 to index
          %get3A_708 = arith.constant 48 : index
          %get3A_709 = tpu.vector_load %arg6[%get3A_707, %get3A_708] {strides = array<i32>} : memref<128x128xf32, #tpu.memory_space<vmem>>, vector<1x16xf32>,
          %get3A_710 = vector.shape_cast %get3A_709 : vector<1x16xf32> to vector<16xf32>
          %add3A_711 = arith.addf %add3A_655, %get3A_710 : vector<16xf32>
          %add3A_712 = arith.constant 6 : i32
          %add3A_713 = arith.addi %add3A_348, %add3A_712 : i32
          %get3A_714 = arith.index_cast %add3A_713 : i32 to index
          %get3A_715 = arith.constant 64 : index
          %get3A_716 = tpu.vector_load %arg6[%get3A_714, %get3A_715] {strides = array<i32>} : memref<128x128xf32, #tpu.memory_space<vmem>>, vector<1x16xf32>,
          %get3A_717 = vector.shape_cast %get3A_716 : vector<1x16xf32> to vector<16xf32>
          %add3A_718 = arith.addf %add3A_662, %get3A_717 : vector<16xf32>
          %add3A_719 = arith.constant 6 : i32
          %add3A_720 = arith.addi %add3A_348, %add3A_719 : i32
          %get3A_721 = arith.index_cast %add3A_720 : i32 to index
          %get3A_722 = arith.constant 80 : index
          %get3A_723 = tpu.vector_load %arg6[%get3A_721, %get3A_722] {strides = array<i32>} : memref<128x128xf32, #tpu.memory_space<vmem>>, vector<1x16xf32>,
          %get3A_724 = vector.shape_cast %get3A_723 : vector<1x16xf32> to vector<16xf32>
          %add3A_725 = arith.addf %add3A_669, %get3A_724 : vector<16xf32>
          %add3A_726 = arith.constant 6 : i32
          %add3A_727 = arith.addi %add3A_348, %add3A_726 : i32
          %get3A_728 = arith.index_cast %add3A_727 : i32 to index
          %get3A_729 = arith.constant 96 : index
          %get3A_730 = tpu.vector_load %arg6[%get3A_728, %get3A_729] {strides = array<i32>} : memref<128x128xf32, #tpu.memory_space<vmem>>, vector<1x16xf32>,
          %get3A_731 = vector.shape_cast %get3A_730 : vector<1x16xf32> to vector<16xf32>
          %add3A_732 = arith.addf %add3A_676, %get3A_731 : vector<16xf32>
          %add3A_733 = arith.constant 6 : i32
          %add3A_734 = arith.addi %add3A_348, %add3A_733 : i32
          %get3A_735 = arith.index_cast %add3A_734 : i32 to index
          %get3A_736 = arith.constant 112 : index
          %get3A_737 = tpu.vector_load %arg6[%get3A_735, %get3A_736] {strides = array<i32>} : memref<128x128xf32, #tpu.memory_space<vmem>>, vector<1x16xf32>,
          %get3A_738 = vector.shape_cast %get3A_737 : vector<1x16xf32> to vector<16xf32>
          %add3A_739 = arith.addf %add3A_683, %get3A_738 : vector<16xf32>
          %add3A_740 = arith.constant 7 : i32
          %add3A_741 = arith.addi %add3A_348, %add3A_740 : i32
          %get3A_742 = arith.index_cast %add3A_741 : i32 to index
          %get3A_743 = arith.constant 0 : index
          %get3A_744 = tpu.vector_load %arg6[%get3A_742, %get3A_743] {strides = array<i32>} : memref<128x128xf32, #tpu.memory_space<vmem>>, vector<1x16xf32>,
          %get3A_745 = vector.shape_cast %get3A_744 : vector<1x16xf32> to vector<16xf32>
          %add3A_746 = arith.addf %add3A_690, %get3A_745 : vector<16xf32>
          %add3A_747 = arith.constant 7 : i32
          %add3A_748 = arith.addi %add3A_348, %add3A_747 : i32
          %get3A_749 = arith.index_cast %add3A_748 : i32 to index
          %get3A_750 = arith.constant 16 : index
          %get3A_751 = tpu.vector_load %arg6[%get3A_749, %get3A_750] {strides = array<i32>} : memref<128x128xf32, #tpu.memory_space<vmem>>, vector<1x16xf32>,
          %get3A_752 = vector.shape_cast %get3A_751 : vector<1x16xf32> to vector<16xf32>
          %add3A_753 = arith.addf %add3A_697, %get3A_752 : vector<16xf32>
          %add3A_754 = arith.constant 7 : i32
          %add3A_755 = arith.addi %add3A_348, %add3A_754 : i32
          %get3A_756 = arith.index_cast %add3A_755 : i32 to index
          %get3A_757 = arith.constant 32 : index
          %get3A_758 = tpu.vector_load %arg6[%get3A_756, %get3A_757] {strides = array<i32>} : memref<128x128xf32, #tpu.memory_space<vmem>>, vector<1x16xf32>,
          %get3A_759 = vector.shape_cast %get3A_758 : vector<1x16xf32> to vector<16xf32>
          %add3A_760 = arith.addf %add3A_704, %get3A_759 : vector<16xf32>
          %add3A_761 = arith.constant 7 : i32
          %add3A_762 = arith.addi %add3A_348, %add3A_761 : i32
          %get3A_763 = arith.index_cast %add3A_762 : i32 to index
          %get3A_764 = arith.constant 48 : index
          %get3A_765 = tpu.vector_load %arg6[%get3A_763, %get3A_764] {strides = array<i32>} : memref<128x128xf32, #tpu.memory_space<vmem>>, vector<1x16xf32>,
          %get3A_766 = vector.shape_cast %get3A_765 : vector<1x16xf32> to vector<16xf32>
          %add3A_767 = arith.addf %add3A_711, %get3A_766 : vector<16xf32>
          %add3A_768 = arith.constant 7 : i32
          %add3A_769 = arith.addi %add3A_348, %add3A_768 : i32
          %get3A_770 = arith.index_cast %add3A_769 : i32 to index
          %get3A_771 = arith.constant 64 : index
          %get3A_772 = tpu.vector_load %arg6[%get3A_770, %get3A_771] {strides = array<i32>} : memref<128x128xf32, #tpu.memory_space<vmem>>, vector<1x16xf32>,
          %get3A_773 = vector.shape_cast %get3A_772 : vector<1x16xf32> to vector<16xf32>
          %add3A_774 = arith.addf %add3A_718, %get3A_773 : vector<16xf32>
          %add3A_775 = arith.constant 7 : i32
          %add3A_776 = arith.addi %add3A_348, %add3A_775 : i32
          %get3A_777 = arith.index_cast %add3A_776 : i32 to index
          %get3A_778 = arith.constant 80 : index
          %get3A_779 = tpu.vector_load %arg6[%get3A_777, %get3A_778] {strides = array<i32>} : memref<128x128xf32, #tpu.memory_space<vmem>>, vector<1x16xf32>,
          %get3A_780 = vector.shape_cast %get3A_779 : vector<1x16xf32> to vector<16xf32>
          %add3A_781 = arith.addf %add3A_725, %get3A_780 : vector<16xf32>
          %add3A_782 = arith.constant 7 : i32
          %add3A_783 = arith.addi %add3A_348, %add3A_782 : i32
          %get3A_784 = arith.index_cast %add3A_783 : i32 to index
          %get3A_785 = arith.constant 96 : index
          %get3A_786 = tpu.vector_load %arg6[%get3A_784, %get3A_785] {strides = array<i32>} : memref<128x128xf32, #tpu.memory_space<vmem>>, vector<1x16xf32>,
          %get3A_787 = vector.shape_cast %get3A_786 : vector<1x16xf32> to vector<16xf32>
          %add3A_788 = arith.addf %add3A_732, %get3A_787 : vector<16xf32>
          %add3A_789 = arith.constant 7 : i32
          %add3A_790 = arith.addi %add3A_348, %add3A_789 : i32
          %get3A_791 = arith.index_cast %add3A_790 : i32 to index
          %get3A_792 = arith.constant 112 : index
          %get3A_793 = tpu.vector_load %arg6[%get3A_791, %get3A_792] {strides = array<i32>} : memref<128x128xf32, #tpu.memory_space<vmem>>, vector<1x16xf32>,
          %get3A_794 = vector.shape_cast %get3A_793 : vector<1x16xf32> to vector<16xf32>
          %add3A_795 = arith.addf %add3A_739, %get3A_794 : vector<16xf32>
          scf.yield %add3A_746, %add3A_753, %add3A_760, %add3A_767, %add3A_774, %add3A_781, %add3A_788, %add3A_795 : vector<16xf32>, vector<16xf32>, vector<16xf32>, vector<16xf32>, vector<16xf32>, vector<16xf32>, vector<16xf32>, vector<16xf32>
        }
        %scan3A_287 = arith.constant 4 : i32
        %add3A_288 = arith.addi %add3A_106, %scan3A_266 : i32
        %swap3A = arith.index_cast %add3A_288 : i32 to index
        %swap3A_289 = arith.constant 0 : index
        %swap3A_290 = tpu.vector_load %arg8[%swap3A, %swap3A_289] {strides = array<i32>} : memref<16x128xf32, #tpu.memory_space<vmem>>, vector<1x16xf32>,
        %swap3A_291 = vector.shape_cast %swap3A_290 : vector<1x16xf32> to vector<16xf32>
        %swap3A_292 = vector.shape_cast %scan3A_286#0 : vector<16xf32> to vector<1x16xf32>
        tpu.vector_store %arg8[%swap3A, %swap3A_289], %swap3A_292 {strides = array<i32>} : memref<16x128xf32, #tpu.memory_space<vmem>>, vector<1x16xf32>,
        %add3A_293 = arith.addi %add3A_106, %scan3A_266 : i32
        %swap3A_294 = arith.index_cast %add3A_293 : i32 to index
        %swap3A_295 = arith.constant 16 : index
        %swap3A_296 = tpu.vector_load %arg8[%swap3A_294, %swap3A_295] {strides = array<i32>} : memref<16x128xf32, #tpu.memory_space<vmem>>, vector<1x16xf32>,
        %swap3A_297 = vector.shape_cast %swap3A_296 : vector<1x16xf32> to vector<16xf32>
        %swap3A_298 = vector.shape_cast %scan3A_286#1 : vector<16xf32> to vector<1x16xf32>
        tpu.vector_store %arg8[%swap3A_294, %swap3A_295], %swap3A_298 {strides = array<i32>} : memref<16x128xf32, #tpu.memory_space<vmem>>, vector<1x16xf32>,
        %add3A_299 = arith.addi %add3A_106, %scan3A_266 : i32
        %swap3A_300 = arith.index_cast %add3A_299 : i32 to index
        %swap3A_301 = arith.constant 32 : index
        %swap3A_302 = tpu.vector_load %arg8[%swap3A_300, %swap3A_301] {strides = array<i32>} : memref<16x128xf32, #tpu.memory_space<vmem>>, vector<1x16xf32>,
        %swap3A_303 = vector.shape_cast %swap3A_302 : vector<1x16xf32> to vector<16xf32>
        %swap3A_304 = vector.shape_cast %scan3A_286#2 : vector<16xf32> to vector<1x16xf32>
        tpu.vector_store %arg8[%swap3A_300, %swap3A_301], %swap3A_304 {strides = array<i32>} : memref<16x128xf32, #tpu.memory_space<vmem>>, vector<1x16xf32>,
        %add3A_305 = arith.addi %add3A_106, %scan3A_266 : i32
        %swap3A_306 = arith.index_cast %add3A_305 : i32 to index
        %swap3A_307 = arith.constant 48 : index
        %swap3A_308 = tpu.vector_load %arg8[%swap3A_306, %swap3A_307] {strides = array<i32>} : memref<16x128xf32, #tpu.memory_space<vmem>>, vector<1x16xf32>,
        %swap3A_309 = vector.shape_cast %swap3A_308 : vector<1x16xf32> to vector<16xf32>
        %swap3A_310 = vector.shape_cast %scan3A_286#3 : vector<16xf32> to vector<1x16xf32>
        tpu.vector_store %arg8[%swap3A_306, %swap3A_307], %swap3A_310 {strides = array<i32>} : memref<16x128xf32, #tpu.memory_space<vmem>>, vector<1x16xf32>,
        %add3A_311 = arith.addi %add3A_106, %scan3A_266 : i32
        %swap3A_312 = arith.index_cast %add3A_311 : i32 to index
        %swap3A_313 = arith.constant 64 : index
        %swap3A_314 = tpu.vector_load %arg8[%swap3A_312, %swap3A_313] {strides = array<i32>} : memref<16x128xf32, #tpu.memory_space<vmem>>, vector<1x16xf32>,
        %swap3A_315 = vector.shape_cast %swap3A_314 : vector<1x16xf32> to vector<16xf32>
        %swap3A_316 = vector.shape_cast %scan3A_286#4 : vector<16xf32> to vector<1x16xf32>
        tpu.vector_store %arg8[%swap3A_312, %swap3A_313], %swap3A_316 {strides = array<i32>} : memref<16x128xf32, #tpu.memory_space<vmem>>, vector<1x16xf32>,
        %add3A_317 = arith.addi %add3A_106, %scan3A_266 : i32
        %swap3A_318 = arith.index_cast %add3A_317 : i32 to index
        %swap3A_319 = arith.constant 80 : index
        %swap3A_320 = tpu.vector_load %arg8[%swap3A_318, %swap3A_319] {strides = array<i32>} : memref<16x128xf32, #tpu.memory_space<vmem>>, vector<1x16xf32>,
        %swap3A_321 = vector.shape_cast %swap3A_320 : vector<1x16xf32> to vector<16xf32>
        %swap3A_322 = vector.shape_cast %scan3A_286#5 : vector<16xf32> to vector<1x16xf32>
        tpu.vector_store %arg8[%swap3A_318, %swap3A_319], %swap3A_322 {strides = array<i32>} : memref<16x128xf32, #tpu.memory_space<vmem>>, vector<1x16xf32>,
        %add3A_323 = arith.addi %add3A_106, %scan3A_266 : i32
        %swap3A_324 = arith.index_cast %add3A_323 : i32 to index
        %swap3A_325 = arith.constant 96 : index
        %swap3A_326 = tpu.vector_load %arg8[%swap3A_324, %swap3A_325] {strides = array<i32>} : memref<16x128xf32, #tpu.memory_space<vmem>>, vector<1x16xf32>,
        %swap3A_327 = vector.shape_cast %swap3A_326 : vector<1x16xf32> to vector<16xf32>
        %swap3A_328 = vector.shape_cast %scan3A_286#6 : vector<16xf32> to vector<1x16xf32>
        tpu.vector_store %arg8[%swap3A_324, %swap3A_325], %swap3A_328 {strides = array<i32>} : memref<16x128xf32, #tpu.memory_space<vmem>>, vector<1x16xf32>,
        %add3A_329 = arith.addi %add3A_106, %scan3A_266 : i32
        %swap3A_330 = arith.index_cast %add3A_329 : i32 to index
        %swap3A_331 = arith.constant 112 : index
        %swap3A_332 = tpu.vector_load %arg8[%swap3A_330, %swap3A_331] {strides = array<i32>} : memref<16x128xf32, #tpu.memory_space<vmem>>, vector<1x16xf32>,
        %swap3A_333 = vector.shape_cast %swap3A_332 : vector<1x16xf32> to vector<16xf32>
        %swap3A_334 = vector.shape_cast %scan3A_286#7 : vector<16xf32> to vector<1x16xf32>
        tpu.vector_store %arg8[%swap3A_330, %swap3A_331], %swap3A_334 {strides = array<i32>} : memref<16x128xf32, #tpu.memory_space<vmem>>, vector<1x16xf32>,
      }
      %scan3A_133 = arith.constant 4 : i32
      %jit3A_134 = arith.constant 2 : i32
      %eq3A_135 = arith.constant 0 : i32
      %eq3A_136 = arith.cmpi eq, %jit3A_134, %eq3A_135 : i32
      %jit3A_137 = arith.constant 1 : i32
      %select_n3A_138 = arith.select %eq3A_136, %jit3A_137, %jit3A_134 : i32
      %rem3A_139 = arith.remsi %mul3A_55, %select_n3A_138 : i32
      %ne3A_140 = arith.constant 0 : i32
      %ne3A_141 = arith.cmpi ne, %rem3A_139, %ne3A_140 : i32
      %lt3A_142 = arith.constant 0 : i32
      %lt3A_143 = arith.cmpi slt, %rem3A_139, %lt3A_142 : i32
      %lt3A_144 = arith.constant 0 : i32
      %lt3A_145 = arith.cmpi slt, %select_n3A_138, %lt3A_144 : i32
      %ne3A_146 = arith.xori %lt3A_143, %lt3A_145 : i1
      %and3A_147 = arith.andi %ne3A_146, %ne3A_141 : i1
      %add3A_148 = arith.addi %rem3A_139, %select_n3A_138 : i32
      %select_n3A_149 = arith.select %and3A_147, %add3A_148, %rem3A_139 : i32
      %eq3A_150 = arith.constant 1 : i32
      %eq3A_151 = arith.cmpi eq, %select_n3A_149, %eq3A_150 : i32
      %convert_element_type3A_152 = arith.extui %eq3A_151 : i1 to i32
      %cond3A_153 = arith.constant 0 : i32
      %cond3A_154 = arith.cmpi ne, %convert_element_type3A_152, %cond3A_153 : i32
      scf.if %cond3A_154 {
        %sub3A_266 = arith.constant 1 : i32
        %sub3A_267 = arith.subi %mul3A_55, %sub3A_266 : i32
        %mul3A_268 = arith.constant 4 : i32
        %mul3A_269 = arith.muli %sub3A_267, %mul3A_268 : i32
        %add3A_270 = arith.addi %multiple_of3A_11, %mul3A_269 : i32
        %multiple_of3A_271 = tpu.assume_multiple %add3A_270, 8 : i32
        %eq3A_272 = arith.constant 0 : i32
        %eq3A_273 = arith.cmpi eq, %rem3A_87, %eq3A_272 : i32
        %convert_element_type3A_274 = arith.extui %eq3A_273 : i1 to i32
        %cond3A_275 = arith.constant 0 : i32
        %cond3A_276 = arith.cmpi ne, %convert_element_type3A_274, %cond3A_275 : i32
        scf.if %cond3A_276 {
          %dma_start3A_282 = arith.constant 0 : i32
          %dma_start3A_283 = arith.constant 0 : i32
          %dma_start3A_284 = tpu.memref_slice %arg8[%dma_start3A_282, %dma_start3A_283] : memref<16x128xf32, #tpu.memory_space<vmem>> -> memref<8x128xf32, #tpu.memory_space<vmem>>
          %dma_start3A_285 = arith.constant 0 : i32
          %dma_start3A_286 = tpu.memref_slice %arg4[%multiple_of3A_271, %dma_start3A_285] : memref<10000x128xf32, #tpu.memory_space<hbm>> -> memref<8x128xf32, #tpu.memory_space<hbm>>
          %dma_start3A_287 = arith.constant 0 : i32
          %dma_start3A_288 = tpu.memref_slice %arg4[%multiple_of3A_271, %dma_start3A_287] : memref<10000x128xf32, #tpu.memory_space<hbm>> -> memref<8x128xf32, #tpu.memory_space<hbm>>
          %dma_start3A_289 = arith.constant 0 : i32
          %dma_start3A_290 = arith.constant 0 : i32
          %dma_start3A_291 = tpu.memref_slice %arg8[%dma_start3A_289, %dma_start3A_290] : memref<16x128xf32, #tpu.memory_space<vmem>> -> memref<8x128xf32, #tpu.memory_space<vmem>>
          tpu.enqueue_dma source(%dma_start3A_291 : memref<8x128xf32, #tpu.memory_space<vmem>>) target(%dma_start3A_288 : memref<8x128xf32, #tpu.memory_space<hbm>>) target_semaphore(%arg12 : memref<!tpu.dma_semaphore, #tpu.memory_space<semaphore_mem>>)
        } else {
        }
        %eq3A_277 = arith.constant 1 : i32
        %eq3A_278 = arith.cmpi eq, %rem3A_87, %eq3A_277 : i32
        %convert_element_type3A_279 = arith.extui %eq3A_278 : i1 to i32
        %cond3A_280 = arith.constant 0 : i32
        %cond3A_281 = arith.cmpi ne, %convert_element_type3A_279, %cond3A_280 : i32
        scf.if %cond3A_281 {
          %dma_start3A_282 = arith.constant 8 : i32
          %dma_start3A_283 = arith.constant 0 : i32
          %dma_start3A_284 = tpu.memref_slice %arg8[%dma_start3A_282, %dma_start3A_283] : memref<16x128xf32, #tpu.memory_space<vmem>> -> memref<8x128xf32, #tpu.memory_space<vmem>>
          %dma_start3A_285 = arith.constant 0 : i32
          %dma_start3A_286 = tpu.memref_slice %arg4[%multiple_of3A_271, %dma_start3A_285] : memref<10000x128xf32, #tpu.memory_space<hbm>> -> memref<8x128xf32, #tpu.memory_space<hbm>>
          %dma_start3A_287 = arith.constant 0 : i32
          %dma_start3A_288 = tpu.memref_slice %arg4[%multiple_of3A_271, %dma_start3A_287] : memref<10000x128xf32, #tpu.memory_space<hbm>> -> memref<8x128xf32, #tpu.memory_space<hbm>>
          %dma_start3A_289 = arith.constant 8 : i32
          %dma_start3A_290 = arith.constant 0 : i32
          %dma_start3A_291 = tpu.memref_slice %arg8[%dma_start3A_289, %dma_start3A_290] : memref<16x128xf32, #tpu.memory_space<vmem>> -> memref<8x128xf32, #tpu.memory_space<vmem>>
          tpu.enqueue_dma source(%dma_start3A_291 : memref<8x128xf32, #tpu.memory_space<vmem>>) target(%dma_start3A_288 : memref<8x128xf32, #tpu.memory_space<hbm>>) target_semaphore(%arg13 : memref<!tpu.dma_semaphore, #tpu.memory_space<semaphore_mem>>)
        } else {
        }
      } else {
      }
      %add3A_155 = arith.constant 2 : i32
      %add3A_156 = arith.addi %mul3A_55, %add3A_155 : i32
      %lt3A_157 = arith.constant 80 : i32
      %lt3A_158 = arith.cmpi slt, %add3A_156, %lt3A_157 : i32
      %convert_element_type3A_159 = arith.extui %lt3A_158 : i1 to i32
      %cond3A_160 = arith.constant 0 : i32
      %cond3A_161 = arith.cmpi ne, %convert_element_type3A_159, %cond3A_160 : i32
      scf.if %cond3A_161 {
        %add3A_266 = arith.constant 2 : i32
        %add3A_267 = arith.addi %mul3A_55, %add3A_266 : i32
        %mul3A_268 = arith.constant 128 : i32
        %mul3A_269 = arith.muli %add3A_267, %mul3A_268 : i32
        %dma_start3A_270 = tpu.memref_slice %arg5[%mul3A_269] : memref<10240xi32, #tpu.memory_space<vmem>> -> memref<128xi32, #tpu.memory_space<vmem>>
        %dma_start3A_271 = arith.constant 0 : i32
        %dma_start3A_272 = arith.constant 0 : i32
        %dma_start3A_273 = tpu.memref_slice %arg9[%dma_start3A_271, %dma_start3A_272] : memref<10000x128xf32, #tpu.memory_space<vmem_shared>> -> memref<10000x128xf32, #tpu.memory_space<vmem_shared>>
        tpu.enqueue_indirect_dma source(%dma_start3A_273 : memref<10000x128xf32, #tpu.memory_space<vmem_shared>>) target(%arg6 : memref<128x128xf32, #tpu.memory_space<vmem>>) offsets(%dma_start3A_270 : memref<128xi32, #tpu.memory_space<vmem>>) semaphore(%arg10 : memref<!tpu.dma_semaphore, #tpu.memory_space<semaphore_mem>>)
      } else {
      }
      %mul3A_162 = arith.constant 128 : i32
      %mul3A_163 = arith.muli %add3A_57, %mul3A_162 : i32
      %dma_wait3A_164 = tpu.memref_slice %arg5[%mul3A_163] : memref<10240xi32, #tpu.memory_space<vmem>> -> memref<128xi32, #tpu.memory_space<vmem>>
      %dma_wait3A_165 = arith.constant 0 : i32
      %dma_wait3A_166 = arith.constant 0 : i32
      %dma_wait3A_167 = tpu.memref_slice %arg9[%dma_wait3A_165, %dma_wait3A_166] : memref<10000x128xf32, #tpu.memory_space<vmem_shared>> -> memref<10000x128xf32, #tpu.memory_space<vmem_shared>>
      tpu.wait_indirect_dma semaphore(%arg11 : memref<!tpu.dma_semaphore, #tpu.memory_space<semaphore_mem>>) src(%dma_wait3A_167 : memref<10000x128xf32, #tpu.memory_space<vmem_shared>>) dst(%arg7 : memref<128x128xf32, #tpu.memory_space<vmem>>)
      %jit3A_168 = arith.constant 2 : i32
      %div3A_169 = arith.divsi %add3A_57, %jit3A_168 : i32
      %sign3A_170 = arith.constant 0 : i32
      %sign3A_171 = arith.cmpi sgt, %add3A_57, %sign3A_170 : i32
      %sign3A_172 = arith.extui %sign3A_171 : i1 to i32
      %sign3A_173 = arith.constant 0 : i32
      %sign3A_174 = arith.cmpi slt, %add3A_57, %sign3A_173 : i32
      %sign3A_175 = arith.extui %sign3A_174 : i1 to i32
      %sign3A_176 = arith.subi %sign3A_172, %sign3A_175 : i32
      %sign3A_177 = arith.constant 0 : i32
      %sign3A_178 = arith.cmpi sgt, %jit3A_168, %sign3A_177 : i32
      %sign3A_179 = arith.extui %sign3A_178 : i1 to i32
      %sign3A_180 = arith.constant 0 : i32
      %sign3A_181 = arith.cmpi slt, %jit3A_168, %sign3A_180 : i32
      %sign3A_182 = arith.extui %sign3A_181 : i1 to i32
      %sign3A_183 = arith.subi %sign3A_179, %sign3A_182 : i32
      %ne3A_184 = arith.cmpi ne, %sign3A_176, %sign3A_183 : i32
      %rem3A_185 = arith.remsi %add3A_57, %jit3A_168 : i32
      %ne3A_186 = arith.constant 0 : i32
      %ne3A_187 = arith.cmpi ne, %rem3A_185, %ne3A_186 : i32
      %and3A_188 = arith.andi %ne3A_184, %ne3A_187 : i1
      %sub3A_189 = arith.constant 1 : i32
      %sub3A_190 = arith.subi %div3A_169, %sub3A_189 : i32
      %select_n3A_191 = arith.select %and3A_188, %sub3A_190, %div3A_169 : i32
      %rem3A_192 = arith.constant 2 : i32
      %rem3A_193 = arith.remsi %select_n3A_191, %rem3A_192 : i32
      %mul3A_194 = arith.constant 8 : i32
      %mul3A_195 = arith.muli %rem3A_193, %mul3A_194 : i32
      %jit3A_196 = arith.constant 2 : i32
      %eq3A_197 = arith.constant 0 : i32
      %eq3A_198 = arith.cmpi eq, %jit3A_196, %eq3A_197 : i32
      %jit3A_199 = arith.constant 1 : i32
      %select_n3A_200 = arith.select %eq3A_198, %jit3A_199, %jit3A_196 : i32
      %rem3A_201 = arith.remsi %add3A_57, %select_n3A_200 : i32
      %ne3A_202 = arith.constant 0 : i32
      %ne3A_203 = arith.cmpi ne, %rem3A_201, %ne3A_202 : i32
      %lt3A_204 = arith.constant 0 : i32
      %lt3A_205 = arith.cmpi slt, %rem3A_201, %lt3A_204 : i32
      %lt3A_206 = arith.constant 0 : i32
      %lt3A_207 = arith.cmpi slt, %select_n3A_200, %lt3A_206 : i32
      %ne3A_208 = arith.xori %lt3A_205, %lt3A_207 : i1
      %and3A_209 = arith.andi %ne3A_208, %ne3A_203 : i1
      %add3A_210 = arith.addi %rem3A_201, %select_n3A_200 : i32
      %select_n3A_211 = arith.select %and3A_209, %add3A_210, %rem3A_201 : i32
      %mul3A_212 = arith.constant 4 : i32
      %mul3A_213 = arith.muli %select_n3A_211, %mul3A_212 : i32
      %add3A_214 = arith.addi %mul3A_195, %mul3A_213 : i32
      %jit3A_215 = arith.constant 2 : i32
      %eq3A_216 = arith.constant 0 : i32
      %eq3A_217 = arith.cmpi eq, %jit3A_215, %eq3A_216 : i32
      %jit3A_218 = arith.constant 1 : i32
      %select_n3A_219 = arith.select %eq3A_217, %jit3A_218, %jit3A_215 : i32
      %rem3A_220 = arith.remsi %add3A_57, %select_n3A_219 : i32
      %ne3A_221 = arith.constant 0 : i32
      %ne3A_222 = arith.cmpi ne, %rem3A_220, %ne3A_221 : i32
      %lt3A_223 = arith.constant 0 : i32
      %lt3A_224 = arith.cmpi slt, %rem3A_220, %lt3A_223 : i32
      %lt3A_225 = arith.constant 0 : i32
      %lt3A_226 = arith.cmpi slt, %select_n3A_219, %lt3A_225 : i32
      %ne3A_227 = arith.xori %lt3A_224, %lt3A_226 : i1
      %and3A_228 = arith.andi %ne3A_227, %ne3A_222 : i1
      %add3A_229 = arith.addi %rem3A_220, %select_n3A_219 : i32
      %select_n3A_230 = arith.select %and3A_228, %add3A_229, %rem3A_220 : i32
      %eq3A_231 = arith.constant 0 : i32
      %eq3A_232 = arith.cmpi eq, %select_n3A_230, %eq3A_231 : i32
      %ge3A_233 = arith.constant 4 : i32
      %ge3A_234 = arith.cmpi sge, %add3A_57, %ge3A_233 : i32
      %and3A_235 = arith.andi %eq3A_232, %ge3A_234 : i1
      %convert_element_type3A_236 = arith.extui %and3A_235 : i1 to i32
      %cond3A_237 = arith.constant 0 : i32
      %cond3A_238 = arith.cmpi ne, %convert_element_type3A_236, %cond3A_237 : i32
      scf.if %cond3A_238 {
        %sub3A_266 = arith.constant 4 : i32
        %sub3A_267 = arith.subi %add3A_57, %sub3A_266 : i32
        %mul3A_268 = arith.constant 4 : i32
        %mul3A_269 = arith.muli %sub3A_267, %mul3A_268 : i32
        %add3A_270 = arith.addi %multiple_of3A_11, %mul3A_269 : i32
        %multiple_of3A_271 = tpu.assume_multiple %add3A_270, 8 : i32
        %eq3A_272 = arith.constant 0 : i32
        %eq3A_273 = arith.cmpi eq, %rem3A_193, %eq3A_272 : i32
        %convert_element_type3A_274 = arith.extui %eq3A_273 : i1 to i32
        %cond3A_275 = arith.constant 0 : i32
        %cond3A_276 = arith.cmpi ne, %convert_element_type3A_274, %cond3A_275 : i32
        scf.if %cond3A_276 {
          %dma_wait3A_282 = arith.constant 0 : i32
          %dma_wait3A_283 = arith.constant 0 : i32
          %dma_wait3A_284 = tpu.memref_slice %arg8[%dma_wait3A_282, %dma_wait3A_283] : memref<16x128xf32, #tpu.memory_space<vmem>> -> memref<8x128xf32, #tpu.memory_space<vmem>>
          %dma_wait3A_285 = arith.constant 0 : i32
          %dma_wait3A_286 = tpu.memref_slice %arg4[%multiple_of3A_271, %dma_wait3A_285] : memref<10000x128xf32, #tpu.memory_space<hbm>> -> memref<8x128xf32, #tpu.memory_space<hbm>>
          %dma_wait3A_287 = arith.constant 0 : i32
          %dma_wait3A_288 = tpu.memref_slice %arg4[%multiple_of3A_271, %dma_wait3A_287] : memref<10000x128xf32, #tpu.memory_space<hbm>> -> memref<8x128xf32, #tpu.memory_space<hbm>>
          %dma_wait3A_289 = arith.constant 0 : i32
          %dma_wait3A_290 = arith.constant 0 : i32
          %dma_wait3A_291 = tpu.memref_slice %arg8[%dma_wait3A_289, %dma_wait3A_290] : memref<16x128xf32, #tpu.memory_space<vmem>> -> memref<8x128xf32, #tpu.memory_space<vmem>>
          tpu.wait_dma2 semaphore(%arg12 : memref<!tpu.dma_semaphore, #tpu.memory_space<semaphore_mem>>) src(%dma_wait3A_291 : memref<8x128xf32, #tpu.memory_space<vmem>>) dst(%dma_wait3A_288 : memref<8x128xf32, #tpu.memory_space<hbm>>)
        } else {
        }
        %eq3A_277 = arith.constant 1 : i32
        %eq3A_278 = arith.cmpi eq, %rem3A_193, %eq3A_277 : i32
        %convert_element_type3A_279 = arith.extui %eq3A_278 : i1 to i32
        %cond3A_280 = arith.constant 0 : i32
        %cond3A_281 = arith.cmpi ne, %convert_element_type3A_279, %cond3A_280 : i32
        scf.if %cond3A_281 {
          %dma_wait3A_282 = arith.constant 8 : i32
          %dma_wait3A_283 = arith.constant 0 : i32
          %dma_wait3A_284 = tpu.memref_slice %arg8[%dma_wait3A_282, %dma_wait3A_283] : memref<16x128xf32, #tpu.memory_space<vmem>> -> memref<8x128xf32, #tpu.memory_space<vmem>>
          %dma_wait3A_285 = arith.constant 0 : i32
          %dma_wait3A_286 = tpu.memref_slice %arg4[%multiple_of3A_271, %dma_wait3A_285] : memref<10000x128xf32, #tpu.memory_space<hbm>> -> memref<8x128xf32, #tpu.memory_space<hbm>>
          %dma_wait3A_287 = arith.constant 0 : i32
          %dma_wait3A_288 = tpu.memref_slice %arg4[%multiple_of3A_271, %dma_wait3A_287] : memref<10000x128xf32, #tpu.memory_space<hbm>> -> memref<8x128xf32, #tpu.memory_space<hbm>>
          %dma_wait3A_289 = arith.constant 8 : i32
          %dma_wait3A_290 = arith.constant 0 : i32
          %dma_wait3A_291 = tpu.memref_slice %arg8[%dma_wait3A_289, %dma_wait3A_290] : memref<16x128xf32, #tpu.memory_space<vmem>> -> memref<8x128xf32, #tpu.memory_space<vmem>>
          tpu.wait_dma2 semaphore(%arg13 : memref<!tpu.dma_semaphore, #tpu.memory_space<semaphore_mem>>) src(%dma_wait3A_291 : memref<8x128xf32, #tpu.memory_space<vmem>>) dst(%dma_wait3A_288 : memref<8x128xf32, #tpu.memory_space<hbm>>)
        } else {
        }
      } else {
      }
      %scan3A_239 = arith.constant 0 : i32
      %scan3A_240 = arith.constant 0 : i32
      %scan3A_241 = arith.constant 4 : i32
      %scan3A_242 = arith.addi %scan3A_240, %scan3A_241 : i32
      %scan3A_243 = arith.constant 1 : i32
      scf.for %scan3A_266 = %scan3A_240 to %scan3A_242 step %scan3A_243  : i32 {
        %broadcast_in_dim3A = arith.constant 0.000000e+00 : f32
        %broadcast_in_dim3A_267 = vector.broadcast %broadcast_in_dim3A : f32 to vector<16xf32>
        %broadcast_in_dim3A_268 = arith.constant 0.000000e+00 : f32
        %broadcast_in_dim3A_269 = vector.broadcast %broadcast_in_dim3A_268 : f32 to vector<16xf32>
        %broadcast_in_dim3A_270 = arith.constant 0.000000e+00 : f32
        %broadcast_in_dim3A_271 = vector.broadcast %broadcast_in_dim3A_270 : f32 to vector<16xf32>
        %broadcast_in_dim3A_272 = arith.constant 0.000000e+00 : f32
        %broadcast_in_dim3A_273 = vector.broadcast %broadcast_in_dim3A_272 : f32 to vector<16xf32>
        %broadcast_in_dim3A_274 = arith.constant 0.000000e+00 : f32
        %broadcast_in_dim3A_275 = vector.broadcast %broadcast_in_dim3A_274 : f32 to vector<16xf32>
        %broadcast_in_dim3A_276 = arith.constant 0.000000e+00 : f32
        %broadcast_in_dim3A_277 = vector.broadcast %broadcast_in_dim3A_276 : f32 to vector<16xf32>
        %broadcast_in_dim3A_278 = arith.constant 0.000000e+00 : f32
        %broadcast_in_dim3A_279 = vector.broadcast %broadcast_in_dim3A_278 : f32 to vector<16xf32>
        %broadcast_in_dim3A_280 = arith.constant 0.000000e+00 : f32
        %broadcast_in_dim3A_281 = vector.broadcast %broadcast_in_dim3A_280 : f32 to vector<16xf32>
        %scan3A_282 = arith.constant 0 : i32
        %scan3A_283 = arith.constant 4 : i32
        %scan3A_284 = arith.addi %scan3A_282, %scan3A_283 : i32
        %scan3A_285 = arith.constant 1 : i32
        %scan3A_286:8 = scf.for %scan3A_335 = %scan3A_282 to %scan3A_284 step %scan3A_285 iter_args(%scan3A_336 = %broadcast_in_dim3A_267, %scan3A_337 = %broadcast_in_dim3A_269, %scan3A_338 = %broadcast_in_dim3A_271, %scan3A_339 = %broadcast_in_dim3A_273, %scan3A_340 = %broadcast_in_dim3A_275, %scan3A_341 = %broadcast_in_dim3A_277, %scan3A_342 = %broadcast_in_dim3A_279, %scan3A_343 = %broadcast_in_dim3A_281) -> (vector<16xf32>, vector<16xf32>, vector<16xf32>, vector<16xf32>, vector<16xf32>, vector<16xf32>, vector<16xf32>, vector<16xf32>)  : i32 {
          %mul3A_344 = arith.constant 32 : i32
          %mul3A_345 = arith.muli %scan3A_266, %mul3A_344 : i32
          %mul3A_346 = arith.constant 8 : i32
          %mul3A_347 = arith.muli %scan3A_335, %mul3A_346 : i32
          %add3A_348 = arith.addi %mul3A_345, %mul3A_347 : i32
          %add3A_349 = arith.constant 0 : i32
          %add3A_350 = arith.addi %add3A_348, %add3A_349 : i32
          %get3A = arith.index_cast %add3A_350 : i32 to index
          %get3A_351 = arith.constant 0 : index
          %get3A_352 = tpu.vector_load %arg7[%get3A, %get3A_351] {strides = array<i32>} : memref<128x128xf32, #tpu.memory_space<vmem>>, vector<1x16xf32>,
          %get3A_353 = vector.shape_cast %get3A_352 : vector<1x16xf32> to vector<16xf32>
          %add3A_354 = arith.addf %scan3A_336, %get3A_353 : vector<16xf32>
          %add3A_355 = arith.constant 0 : i32
          %add3A_356 = arith.addi %add3A_348, %add3A_355 : i32
          %get3A_357 = arith.index_cast %add3A_356 : i32 to index
          %get3A_358 = arith.constant 16 : index
          %get3A_359 = tpu.vector_load %arg7[%get3A_357, %get3A_358] {strides = array<i32>} : memref<128x128xf32, #tpu.memory_space<vmem>>, vector<1x16xf32>,
          %get3A_360 = vector.shape_cast %get3A_359 : vector<1x16xf32> to vector<16xf32>
          %add3A_361 = arith.addf %scan3A_337, %get3A_360 : vector<16xf32>
          %add3A_362 = arith.constant 0 : i32
          %add3A_363 = arith.addi %add3A_348, %add3A_362 : i32
          %get3A_364 = arith.index_cast %add3A_363 : i32 to index
          %get3A_365 = arith.constant 32 : index
          %get3A_366 = tpu.vector_load %arg7[%get3A_364, %get3A_365] {strides = array<i32>} : memref<128x128xf32, #tpu.memory_space<vmem>>, vector<1x16xf32>,
          %get3A_367 = vector.shape_cast %get3A_366 : vector<1x16xf32> to vector<16xf32>
          %add3A_368 = arith.addf %scan3A_338, %get3A_367 : vector<16xf32>
          %add3A_369 = arith.constant 0 : i32
          %add3A_370 = arith.addi %add3A_348, %add3A_369 : i32
          %get3A_371 = arith.index_cast %add3A_370 : i32 to index
          %get3A_372 = arith.constant 48 : index
          %get3A_373 = tpu.vector_load %arg7[%get3A_371, %get3A_372] {strides = array<i32>} : memref<128x128xf32, #tpu.memory_space<vmem>>, vector<1x16xf32>,
          %get3A_374 = vector.shape_cast %get3A_373 : vector<1x16xf32> to vector<16xf32>
          %add3A_375 = arith.addf %scan3A_339, %get3A_374 : vector<16xf32>
          %add3A_376 = arith.constant 0 : i32
          %add3A_377 = arith.addi %add3A_348, %add3A_376 : i32
          %get3A_378 = arith.index_cast %add3A_377 : i32 to index
          %get3A_379 = arith.constant 64 : index
          %get3A_380 = tpu.vector_load %arg7[%get3A_378, %get3A_379] {strides = array<i32>} : memref<128x128xf32, #tpu.memory_space<vmem>>, vector<1x16xf32>,
          %get3A_381 = vector.shape_cast %get3A_380 : vector<1x16xf32> to vector<16xf32>
          %add3A_382 = arith.addf %scan3A_340, %get3A_381 : vector<16xf32>
          %add3A_383 = arith.constant 0 : i32
          %add3A_384 = arith.addi %add3A_348, %add3A_383 : i32
          %get3A_385 = arith.index_cast %add3A_384 : i32 to index
          %get3A_386 = arith.constant 80 : index
          %get3A_387 = tpu.vector_load %arg7[%get3A_385, %get3A_386] {strides = array<i32>} : memref<128x128xf32, #tpu.memory_space<vmem>>, vector<1x16xf32>,
          %get3A_388 = vector.shape_cast %get3A_387 : vector<1x16xf32> to vector<16xf32>
          %add3A_389 = arith.addf %scan3A_341, %get3A_388 : vector<16xf32>
          %add3A_390 = arith.constant 0 : i32
          %add3A_391 = arith.addi %add3A_348, %add3A_390 : i32
          %get3A_392 = arith.index_cast %add3A_391 : i32 to index
          %get3A_393 = arith.constant 96 : index
          %get3A_394 = tpu.vector_load %arg7[%get3A_392, %get3A_393] {strides = array<i32>} : memref<128x128xf32, #tpu.memory_space<vmem>>, vector<1x16xf32>,
          %get3A_395 = vector.shape_cast %get3A_394 : vector<1x16xf32> to vector<16xf32>
          %add3A_396 = arith.addf %scan3A_342, %get3A_395 : vector<16xf32>
          %add3A_397 = arith.constant 0 : i32
          %add3A_398 = arith.addi %add3A_348, %add3A_397 : i32
          %get3A_399 = arith.index_cast %add3A_398 : i32 to index
          %get3A_400 = arith.constant 112 : index
          %get3A_401 = tpu.vector_load %arg7[%get3A_399, %get3A_400] {strides = array<i32>} : memref<128x128xf32, #tpu.memory_space<vmem>>, vector<1x16xf32>,
          %get3A_402 = vector.shape_cast %get3A_401 : vector<1x16xf32> to vector<16xf32>
          %add3A_403 = arith.addf %scan3A_343, %get3A_402 : vector<16xf32>
          %add3A_404 = arith.constant 1 : i32
          %add3A_405 = arith.addi %add3A_348, %add3A_404 : i32
          %get3A_406 = arith.index_cast %add3A_405 : i32 to index
          %get3A_407 = arith.constant 0 : index
          %get3A_408 = tpu.vector_load %arg7[%get3A_406, %get3A_407] {strides = array<i32>} : memref<128x128xf32, #tpu.memory_space<vmem>>, vector<1x16xf32>,
          %get3A_409 = vector.shape_cast %get3A_408 : vector<1x16xf32> to vector<16xf32>
          %add3A_410 = arith.addf %add3A_354, %get3A_409 : vector<16xf32>
          %add3A_411 = arith.constant 1 : i32
          %add3A_412 = arith.addi %add3A_348, %add3A_411 : i32
          %get3A_413 = arith.index_cast %add3A_412 : i32 to index
          %get3A_414 = arith.constant 16 : index
          %get3A_415 = tpu.vector_load %arg7[%get3A_413, %get3A_414] {strides = array<i32>} : memref<128x128xf32, #tpu.memory_space<vmem>>, vector<1x16xf32>,
          %get3A_416 = vector.shape_cast %get3A_415 : vector<1x16xf32> to vector<16xf32>
          %add3A_417 = arith.addf %add3A_361, %get3A_416 : vector<16xf32>
          %add3A_418 = arith.constant 1 : i32
          %add3A_419 = arith.addi %add3A_348, %add3A_418 : i32
          %get3A_420 = arith.index_cast %add3A_419 : i32 to index
          %get3A_421 = arith.constant 32 : index
          %get3A_422 = tpu.vector_load %arg7[%get3A_420, %get3A_421] {strides = array<i32>} : memref<128x128xf32, #tpu.memory_space<vmem>>, vector<1x16xf32>,
          %get3A_423 = vector.shape_cast %get3A_422 : vector<1x16xf32> to vector<16xf32>
          %add3A_424 = arith.addf %add3A_368, %get3A_423 : vector<16xf32>
          %add3A_425 = arith.constant 1 : i32
          %add3A_426 = arith.addi %add3A_348, %add3A_425 : i32
          %get3A_427 = arith.index_cast %add3A_426 : i32 to index
          %get3A_428 = arith.constant 48 : index
          %get3A_429 = tpu.vector_load %arg7[%get3A_427, %get3A_428] {strides = array<i32>} : memref<128x128xf32, #tpu.memory_space<vmem>>, vector<1x16xf32>,
          %get3A_430 = vector.shape_cast %get3A_429 : vector<1x16xf32> to vector<16xf32>
          %add3A_431 = arith.addf %add3A_375, %get3A_430 : vector<16xf32>
          %add3A_432 = arith.constant 1 : i32
          %add3A_433 = arith.addi %add3A_348, %add3A_432 : i32
          %get3A_434 = arith.index_cast %add3A_433 : i32 to index
          %get3A_435 = arith.constant 64 : index
          %get3A_436 = tpu.vector_load %arg7[%get3A_434, %get3A_435] {strides = array<i32>} : memref<128x128xf32, #tpu.memory_space<vmem>>, vector<1x16xf32>,
          %get3A_437 = vector.shape_cast %get3A_436 : vector<1x16xf32> to vector<16xf32>
          %add3A_438 = arith.addf %add3A_382, %get3A_437 : vector<16xf32>
          %add3A_439 = arith.constant 1 : i32
          %add3A_440 = arith.addi %add3A_348, %add3A_439 : i32
          %get3A_441 = arith.index_cast %add3A_440 : i32 to index
          %get3A_442 = arith.constant 80 : index
          %get3A_443 = tpu.vector_load %arg7[%get3A_441, %get3A_442] {strides = array<i32>} : memref<128x128xf32, #tpu.memory_space<vmem>>, vector<1x16xf32>,
          %get3A_444 = vector.shape_cast %get3A_443 : vector<1x16xf32> to vector<16xf32>
          %add3A_445 = arith.addf %add3A_389, %get3A_444 : vector<16xf32>
          %add3A_446 = arith.constant 1 : i32
          %add3A_447 = arith.addi %add3A_348, %add3A_446 : i32
          %get3A_448 = arith.index_cast %add3A_447 : i32 to index
          %get3A_449 = arith.constant 96 : index
          %get3A_450 = tpu.vector_load %arg7[%get3A_448, %get3A_449] {strides = array<i32>} : memref<128x128xf32, #tpu.memory_space<vmem>>, vector<1x16xf32>,
          %get3A_451 = vector.shape_cast %get3A_450 : vector<1x16xf32> to vector<16xf32>
          %add3A_452 = arith.addf %add3A_396, %get3A_451 : vector<16xf32>
          %add3A_453 = arith.constant 1 : i32
          %add3A_454 = arith.addi %add3A_348, %add3A_453 : i32
          %get3A_455 = arith.index_cast %add3A_454 : i32 to index
          %get3A_456 = arith.constant 112 : index
          %get3A_457 = tpu.vector_load %arg7[%get3A_455, %get3A_456] {strides = array<i32>} : memref<128x128xf32, #tpu.memory_space<vmem>>, vector<1x16xf32>,
          %get3A_458 = vector.shape_cast %get3A_457 : vector<1x16xf32> to vector<16xf32>
          %add3A_459 = arith.addf %add3A_403, %get3A_458 : vector<16xf32>
          %add3A_460 = arith.constant 2 : i32
          %add3A_461 = arith.addi %add3A_348, %add3A_460 : i32
          %get3A_462 = arith.index_cast %add3A_461 : i32 to index
          %get3A_463 = arith.constant 0 : index
          %get3A_464 = tpu.vector_load %arg7[%get3A_462, %get3A_463] {strides = array<i32>} : memref<128x128xf32, #tpu.memory_space<vmem>>, vector<1x16xf32>,
          %get3A_465 = vector.shape_cast %get3A_464 : vector<1x16xf32> to vector<16xf32>
          %add3A_466 = arith.addf %add3A_410, %get3A_465 : vector<16xf32>
          %add3A_467 = arith.constant 2 : i32
          %add3A_468 = arith.addi %add3A_348, %add3A_467 : i32
          %get3A_469 = arith.index_cast %add3A_468 : i32 to index
          %get3A_470 = arith.constant 16 : index
          %get3A_471 = tpu.vector_load %arg7[%get3A_469, %get3A_470] {strides = array<i32>} : memref<128x128xf32, #tpu.memory_space<vmem>>, vector<1x16xf32>,
          %get3A_472 = vector.shape_cast %get3A_471 : vector<1x16xf32> to vector<16xf32>
          %add3A_473 = arith.addf %add3A_417, %get3A_472 : vector<16xf32>
          %add3A_474 = arith.constant 2 : i32
          %add3A_475 = arith.addi %add3A_348, %add3A_474 : i32
          %get3A_476 = arith.index_cast %add3A_475 : i32 to index
          %get3A_477 = arith.constant 32 : index
          %get3A_478 = tpu.vector_load %arg7[%get3A_476, %get3A_477] {strides = array<i32>} : memref<128x128xf32, #tpu.memory_space<vmem>>, vector<1x16xf32>,
          %get3A_479 = vector.shape_cast %get3A_478 : vector<1x16xf32> to vector<16xf32>
          %add3A_480 = arith.addf %add3A_424, %get3A_479 : vector<16xf32>
          %add3A_481 = arith.constant 2 : i32
          %add3A_482 = arith.addi %add3A_348, %add3A_481 : i32
          %get3A_483 = arith.index_cast %add3A_482 : i32 to index
          %get3A_484 = arith.constant 48 : index
          %get3A_485 = tpu.vector_load %arg7[%get3A_483, %get3A_484] {strides = array<i32>} : memref<128x128xf32, #tpu.memory_space<vmem>>, vector<1x16xf32>,
          %get3A_486 = vector.shape_cast %get3A_485 : vector<1x16xf32> to vector<16xf32>
          %add3A_487 = arith.addf %add3A_431, %get3A_486 : vector<16xf32>
          %add3A_488 = arith.constant 2 : i32
          %add3A_489 = arith.addi %add3A_348, %add3A_488 : i32
          %get3A_490 = arith.index_cast %add3A_489 : i32 to index
          %get3A_491 = arith.constant 64 : index
          %get3A_492 = tpu.vector_load %arg7[%get3A_490, %get3A_491] {strides = array<i32>} : memref<128x128xf32, #tpu.memory_space<vmem>>, vector<1x16xf32>,
          %get3A_493 = vector.shape_cast %get3A_492 : vector<1x16xf32> to vector<16xf32>
          %add3A_494 = arith.addf %add3A_438, %get3A_493 : vector<16xf32>
          %add3A_495 = arith.constant 2 : i32
          %add3A_496 = arith.addi %add3A_348, %add3A_495 : i32
          %get3A_497 = arith.index_cast %add3A_496 : i32 to index
          %get3A_498 = arith.constant 80 : index
          %get3A_499 = tpu.vector_load %arg7[%get3A_497, %get3A_498] {strides = array<i32>} : memref<128x128xf32, #tpu.memory_space<vmem>>, vector<1x16xf32>,
          %get3A_500 = vector.shape_cast %get3A_499 : vector<1x16xf32> to vector<16xf32>
          %add3A_501 = arith.addf %add3A_445, %get3A_500 : vector<16xf32>
          %add3A_502 = arith.constant 2 : i32
          %add3A_503 = arith.addi %add3A_348, %add3A_502 : i32
          %get3A_504 = arith.index_cast %add3A_503 : i32 to index
          %get3A_505 = arith.constant 96 : index
          %get3A_506 = tpu.vector_load %arg7[%get3A_504, %get3A_505] {strides = array<i32>} : memref<128x128xf32, #tpu.memory_space<vmem>>, vector<1x16xf32>,
          %get3A_507 = vector.shape_cast %get3A_506 : vector<1x16xf32> to vector<16xf32>
          %add3A_508 = arith.addf %add3A_452, %get3A_507 : vector<16xf32>
          %add3A_509 = arith.constant 2 : i32
          %add3A_510 = arith.addi %add3A_348, %add3A_509 : i32
          %get3A_511 = arith.index_cast %add3A_510 : i32 to index
          %get3A_512 = arith.constant 112 : index
          %get3A_513 = tpu.vector_load %arg7[%get3A_511, %get3A_512] {strides = array<i32>} : memref<128x128xf32, #tpu.memory_space<vmem>>, vector<1x16xf32>,
          %get3A_514 = vector.shape_cast %get3A_513 : vector<1x16xf32> to vector<16xf32>
          %add3A_515 = arith.addf %add3A_459, %get3A_514 : vector<16xf32>
          %add3A_516 = arith.constant 3 : i32
          %add3A_517 = arith.addi %add3A_348, %add3A_516 : i32
          %get3A_518 = arith.index_cast %add3A_517 : i32 to index
          %get3A_519 = arith.constant 0 : index
          %get3A_520 = tpu.vector_load %arg7[%get3A_518, %get3A_519] {strides = array<i32>} : memref<128x128xf32, #tpu.memory_space<vmem>>, vector<1x16xf32>,
          %get3A_521 = vector.shape_cast %get3A_520 : vector<1x16xf32> to vector<16xf32>
          %add3A_522 = arith.addf %add3A_466, %get3A_521 : vector<16xf32>
          %add3A_523 = arith.constant 3 : i32
          %add3A_524 = arith.addi %add3A_348, %add3A_523 : i32
          %get3A_525 = arith.index_cast %add3A_524 : i32 to index
          %get3A_526 = arith.constant 16 : index
          %get3A_527 = tpu.vector_load %arg7[%get3A_525, %get3A_526] {strides = array<i32>} : memref<128x128xf32, #tpu.memory_space<vmem>>, vector<1x16xf32>,
          %get3A_528 = vector.shape_cast %get3A_527 : vector<1x16xf32> to vector<16xf32>
          %add3A_529 = arith.addf %add3A_473, %get3A_528 : vector<16xf32>
          %add3A_530 = arith.constant 3 : i32
          %add3A_531 = arith.addi %add3A_348, %add3A_530 : i32
          %get3A_532 = arith.index_cast %add3A_531 : i32 to index
          %get3A_533 = arith.constant 32 : index
          %get3A_534 = tpu.vector_load %arg7[%get3A_532, %get3A_533] {strides = array<i32>} : memref<128x128xf32, #tpu.memory_space<vmem>>, vector<1x16xf32>,
          %get3A_535 = vector.shape_cast %get3A_534 : vector<1x16xf32> to vector<16xf32>
          %add3A_536 = arith.addf %add3A_480, %get3A_535 : vector<16xf32>
          %add3A_537 = arith.constant 3 : i32
          %add3A_538 = arith.addi %add3A_348, %add3A_537 : i32
          %get3A_539 = arith.index_cast %add3A_538 : i32 to index
          %get3A_540 = arith.constant 48 : index
          %get3A_541 = tpu.vector_load %arg7[%get3A_539, %get3A_540] {strides = array<i32>} : memref<128x128xf32, #tpu.memory_space<vmem>>, vector<1x16xf32>,
          %get3A_542 = vector.shape_cast %get3A_541 : vector<1x16xf32> to vector<16xf32>
          %add3A_543 = arith.addf %add3A_487, %get3A_542 : vector<16xf32>
          %add3A_544 = arith.constant 3 : i32
          %add3A_545 = arith.addi %add3A_348, %add3A_544 : i32
          %get3A_546 = arith.index_cast %add3A_545 : i32 to index
          %get3A_547 = arith.constant 64 : index
          %get3A_548 = tpu.vector_load %arg7[%get3A_546, %get3A_547] {strides = array<i32>} : memref<128x128xf32, #tpu.memory_space<vmem>>, vector<1x16xf32>,
          %get3A_549 = vector.shape_cast %get3A_548 : vector<1x16xf32> to vector<16xf32>
          %add3A_550 = arith.addf %add3A_494, %get3A_549 : vector<16xf32>
          %add3A_551 = arith.constant 3 : i32
          %add3A_552 = arith.addi %add3A_348, %add3A_551 : i32
          %get3A_553 = arith.index_cast %add3A_552 : i32 to index
          %get3A_554 = arith.constant 80 : index
          %get3A_555 = tpu.vector_load %arg7[%get3A_553, %get3A_554] {strides = array<i32>} : memref<128x128xf32, #tpu.memory_space<vmem>>, vector<1x16xf32>,
          %get3A_556 = vector.shape_cast %get3A_555 : vector<1x16xf32> to vector<16xf32>
          %add3A_557 = arith.addf %add3A_501, %get3A_556 : vector<16xf32>
          %add3A_558 = arith.constant 3 : i32
          %add3A_559 = arith.addi %add3A_348, %add3A_558 : i32
          %get3A_560 = arith.index_cast %add3A_559 : i32 to index
          %get3A_561 = arith.constant 96 : index
          %get3A_562 = tpu.vector_load %arg7[%get3A_560, %get3A_561] {strides = array<i32>} : memref<128x128xf32, #tpu.memory_space<vmem>>, vector<1x16xf32>,
          %get3A_563 = vector.shape_cast %get3A_562 : vector<1x16xf32> to vector<16xf32>
          %add3A_564 = arith.addf %add3A_508, %get3A_563 : vector<16xf32>
          %add3A_565 = arith.constant 3 : i32
          %add3A_566 = arith.addi %add3A_348, %add3A_565 : i32
          %get3A_567 = arith.index_cast %add3A_566 : i32 to index
          %get3A_568 = arith.constant 112 : index
          %get3A_569 = tpu.vector_load %arg7[%get3A_567, %get3A_568] {strides = array<i32>} : memref<128x128xf32, #tpu.memory_space<vmem>>, vector<1x16xf32>,
          %get3A_570 = vector.shape_cast %get3A_569 : vector<1x16xf32> to vector<16xf32>
          %add3A_571 = arith.addf %add3A_515, %get3A_570 : vector<16xf32>
          %add3A_572 = arith.constant 4 : i32
          %add3A_573 = arith.addi %add3A_348, %add3A_572 : i32
          %get3A_574 = arith.index_cast %add3A_573 : i32 to index
          %get3A_575 = arith.constant 0 : index
          %get3A_576 = tpu.vector_load %arg7[%get3A_574, %get3A_575] {strides = array<i32>} : memref<128x128xf32, #tpu.memory_space<vmem>>, vector<1x16xf32>,
          %get3A_577 = vector.shape_cast %get3A_576 : vector<1x16xf32> to vector<16xf32>
          %add3A_578 = arith.addf %add3A_522, %get3A_577 : vector<16xf32>
          %add3A_579 = arith.constant 4 : i32
          %add3A_580 = arith.addi %add3A_348, %add3A_579 : i32
          %get3A_581 = arith.index_cast %add3A_580 : i32 to index
          %get3A_582 = arith.constant 16 : index
          %get3A_583 = tpu.vector_load %arg7[%get3A_581, %get3A_582] {strides = array<i32>} : memref<128x128xf32, #tpu.memory_space<vmem>>, vector<1x16xf32>,
          %get3A_584 = vector.shape_cast %get3A_583 : vector<1x16xf32> to vector<16xf32>
          %add3A_585 = arith.addf %add3A_529, %get3A_584 : vector<16xf32>
          %add3A_586 = arith.constant 4 : i32
          %add3A_587 = arith.addi %add3A_348, %add3A_586 : i32
          %get3A_588 = arith.index_cast %add3A_587 : i32 to index
          %get3A_589 = arith.constant 32 : index
          %get3A_590 = tpu.vector_load %arg7[%get3A_588, %get3A_589] {strides = array<i32>} : memref<128x128xf32, #tpu.memory_space<vmem>>, vector<1x16xf32>,
          %get3A_591 = vector.shape_cast %get3A_590 : vector<1x16xf32> to vector<16xf32>
          %add3A_592 = arith.addf %add3A_536, %get3A_591 : vector<16xf32>
          %add3A_593 = arith.constant 4 : i32
          %add3A_594 = arith.addi %add3A_348, %add3A_593 : i32
          %get3A_595 = arith.index_cast %add3A_594 : i32 to index
          %get3A_596 = arith.constant 48 : index
          %get3A_597 = tpu.vector_load %arg7[%get3A_595, %get3A_596] {strides = array<i32>} : memref<128x128xf32, #tpu.memory_space<vmem>>, vector<1x16xf32>,
          %get3A_598 = vector.shape_cast %get3A_597 : vector<1x16xf32> to vector<16xf32>
          %add3A_599 = arith.addf %add3A_543, %get3A_598 : vector<16xf32>
          %add3A_600 = arith.constant 4 : i32
          %add3A_601 = arith.addi %add3A_348, %add3A_600 : i32
          %get3A_602 = arith.index_cast %add3A_601 : i32 to index
          %get3A_603 = arith.constant 64 : index
          %get3A_604 = tpu.vector_load %arg7[%get3A_602, %get3A_603] {strides = array<i32>} : memref<128x128xf32, #tpu.memory_space<vmem>>, vector<1x16xf32>,
          %get3A_605 = vector.shape_cast %get3A_604 : vector<1x16xf32> to vector<16xf32>
          %add3A_606 = arith.addf %add3A_550, %get3A_605 : vector<16xf32>
          %add3A_607 = arith.constant 4 : i32
          %add3A_608 = arith.addi %add3A_348, %add3A_607 : i32
          %get3A_609 = arith.index_cast %add3A_608 : i32 to index
          %get3A_610 = arith.constant 80 : index
          %get3A_611 = tpu.vector_load %arg7[%get3A_609, %get3A_610] {strides = array<i32>} : memref<128x128xf32, #tpu.memory_space<vmem>>, vector<1x16xf32>,
          %get3A_612 = vector.shape_cast %get3A_611 : vector<1x16xf32> to vector<16xf32>
          %add3A_613 = arith.addf %add3A_557, %get3A_612 : vector<16xf32>
          %add3A_614 = arith.constant 4 : i32
          %add3A_615 = arith.addi %add3A_348, %add3A_614 : i32
          %get3A_616 = arith.index_cast %add3A_615 : i32 to index
          %get3A_617 = arith.constant 96 : index
          %get3A_618 = tpu.vector_load %arg7[%get3A_616, %get3A_617] {strides = array<i32>} : memref<128x128xf32, #tpu.memory_space<vmem>>, vector<1x16xf32>,
          %get3A_619 = vector.shape_cast %get3A_618 : vector<1x16xf32> to vector<16xf32>
          %add3A_620 = arith.addf %add3A_564, %get3A_619 : vector<16xf32>
          %add3A_621 = arith.constant 4 : i32
          %add3A_622 = arith.addi %add3A_348, %add3A_621 : i32
          %get3A_623 = arith.index_cast %add3A_622 : i32 to index
          %get3A_624 = arith.constant 112 : index
          %get3A_625 = tpu.vector_load %arg7[%get3A_623, %get3A_624] {strides = array<i32>} : memref<128x128xf32, #tpu.memory_space<vmem>>, vector<1x16xf32>,
          %get3A_626 = vector.shape_cast %get3A_625 : vector<1x16xf32> to vector<16xf32>
          %add3A_627 = arith.addf %add3A_571, %get3A_626 : vector<16xf32>
          %add3A_628 = arith.constant 5 : i32
          %add3A_629 = arith.addi %add3A_348, %add3A_628 : i32
          %get3A_630 = arith.index_cast %add3A_629 : i32 to index
          %get3A_631 = arith.constant 0 : index
          %get3A_632 = tpu.vector_load %arg7[%get3A_630, %get3A_631] {strides = array<i32>} : memref<128x128xf32, #tpu.memory_space<vmem>>, vector<1x16xf32>,
          %get3A_633 = vector.shape_cast %get3A_632 : vector<1x16xf32> to vector<16xf32>
          %add3A_634 = arith.addf %add3A_578, %get3A_633 : vector<16xf32>
          %add3A_635 = arith.constant 5 : i32
          %add3A_636 = arith.addi %add3A_348, %add3A_635 : i32
          %get3A_637 = arith.index_cast %add3A_636 : i32 to index
          %get3A_638 = arith.constant 16 : index
          %get3A_639 = tpu.vector_load %arg7[%get3A_637, %get3A_638] {strides = array<i32>} : memref<128x128xf32, #tpu.memory_space<vmem>>, vector<1x16xf32>,
          %get3A_640 = vector.shape_cast %get3A_639 : vector<1x16xf32> to vector<16xf32>
          %add3A_641 = arith.addf %add3A_585, %get3A_640 : vector<16xf32>
          %add3A_642 = arith.constant 5 : i32
          %add3A_643 = arith.addi %add3A_348, %add3A_642 : i32
          %get3A_644 = arith.index_cast %add3A_643 : i32 to index
          %get3A_645 = arith.constant 32 : index
          %get3A_646 = tpu.vector_load %arg7[%get3A_644, %get3A_645] {strides = array<i32>} : memref<128x128xf32, #tpu.memory_space<vmem>>, vector<1x16xf32>,
          %get3A_647 = vector.shape_cast %get3A_646 : vector<1x16xf32> to vector<16xf32>
          %add3A_648 = arith.addf %add3A_592, %get3A_647 : vector<16xf32>
          %add3A_649 = arith.constant 5 : i32
          %add3A_650 = arith.addi %add3A_348, %add3A_649 : i32
          %get3A_651 = arith.index_cast %add3A_650 : i32 to index
          %get3A_652 = arith.constant 48 : index
          %get3A_653 = tpu.vector_load %arg7[%get3A_651, %get3A_652] {strides = array<i32>} : memref<128x128xf32, #tpu.memory_space<vmem>>, vector<1x16xf32>,
          %get3A_654 = vector.shape_cast %get3A_653 : vector<1x16xf32> to vector<16xf32>
          %add3A_655 = arith.addf %add3A_599, %get3A_654 : vector<16xf32>
          %add3A_656 = arith.constant 5 : i32
          %add3A_657 = arith.addi %add3A_348, %add3A_656 : i32
          %get3A_658 = arith.index_cast %add3A_657 : i32 to index
          %get3A_659 = arith.constant 64 : index
          %get3A_660 = tpu.vector_load %arg7[%get3A_658, %get3A_659] {strides = array<i32>} : memref<128x128xf32, #tpu.memory_space<vmem>>, vector<1x16xf32>,
          %get3A_661 = vector.shape_cast %get3A_660 : vector<1x16xf32> to vector<16xf32>
          %add3A_662 = arith.addf %add3A_606, %get3A_661 : vector<16xf32>
          %add3A_663 = arith.constant 5 : i32
          %add3A_664 = arith.addi %add3A_348, %add3A_663 : i32
          %get3A_665 = arith.index_cast %add3A_664 : i32 to index
          %get3A_666 = arith.constant 80 : index
          %get3A_667 = tpu.vector_load %arg7[%get3A_665, %get3A_666] {strides = array<i32>} : memref<128x128xf32, #tpu.memory_space<vmem>>, vector<1x16xf32>,
          %get3A_668 = vector.shape_cast %get3A_667 : vector<1x16xf32> to vector<16xf32>
          %add3A_669 = arith.addf %add3A_613, %get3A_668 : vector<16xf32>
          %add3A_670 = arith.constant 5 : i32
          %add3A_671 = arith.addi %add3A_348, %add3A_670 : i32
          %get3A_672 = arith.index_cast %add3A_671 : i32 to index
          %get3A_673 = arith.constant 96 : index
          %get3A_674 = tpu.vector_load %arg7[%get3A_672, %get3A_673] {strides = array<i32>} : memref<128x128xf32, #tpu.memory_space<vmem>>, vector<1x16xf32>,
          %get3A_675 = vector.shape_cast %get3A_674 : vector<1x16xf32> to vector<16xf32>
          %add3A_676 = arith.addf %add3A_620, %get3A_675 : vector<16xf32>
          %add3A_677 = arith.constant 5 : i32
          %add3A_678 = arith.addi %add3A_348, %add3A_677 : i32
          %get3A_679 = arith.index_cast %add3A_678 : i32 to index
          %get3A_680 = arith.constant 112 : index
          %get3A_681 = tpu.vector_load %arg7[%get3A_679, %get3A_680] {strides = array<i32>} : memref<128x128xf32, #tpu.memory_space<vmem>>, vector<1x16xf32>,
          %get3A_682 = vector.shape_cast %get3A_681 : vector<1x16xf32> to vector<16xf32>
          %add3A_683 = arith.addf %add3A_627, %get3A_682 : vector<16xf32>
          %add3A_684 = arith.constant 6 : i32
          %add3A_685 = arith.addi %add3A_348, %add3A_684 : i32
          %get3A_686 = arith.index_cast %add3A_685 : i32 to index
          %get3A_687 = arith.constant 0 : index
          %get3A_688 = tpu.vector_load %arg7[%get3A_686, %get3A_687] {strides = array<i32>} : memref<128x128xf32, #tpu.memory_space<vmem>>, vector<1x16xf32>,
          %get3A_689 = vector.shape_cast %get3A_688 : vector<1x16xf32> to vector<16xf32>
          %add3A_690 = arith.addf %add3A_634, %get3A_689 : vector<16xf32>
          %add3A_691 = arith.constant 6 : i32
          %add3A_692 = arith.addi %add3A_348, %add3A_691 : i32
          %get3A_693 = arith.index_cast %add3A_692 : i32 to index
          %get3A_694 = arith.constant 16 : index
          %get3A_695 = tpu.vector_load %arg7[%get3A_693, %get3A_694] {strides = array<i32>} : memref<128x128xf32, #tpu.memory_space<vmem>>, vector<1x16xf32>,
          %get3A_696 = vector.shape_cast %get3A_695 : vector<1x16xf32> to vector<16xf32>
          %add3A_697 = arith.addf %add3A_641, %get3A_696 : vector<16xf32>
          %add3A_698 = arith.constant 6 : i32
          %add3A_699 = arith.addi %add3A_348, %add3A_698 : i32
          %get3A_700 = arith.index_cast %add3A_699 : i32 to index
          %get3A_701 = arith.constant 32 : index
          %get3A_702 = tpu.vector_load %arg7[%get3A_700, %get3A_701] {strides = array<i32>} : memref<128x128xf32, #tpu.memory_space<vmem>>, vector<1x16xf32>,
          %get3A_703 = vector.shape_cast %get3A_702 : vector<1x16xf32> to vector<16xf32>
          %add3A_704 = arith.addf %add3A_648, %get3A_703 : vector<16xf32>
          %add3A_705 = arith.constant 6 : i32
          %add3A_706 = arith.addi %add3A_348, %add3A_705 : i32
          %get3A_707 = arith.index_cast %add3A_706 : i32 to index
          %get3A_708 = arith.constant 48 : index
          %get3A_709 = tpu.vector_load %arg7[%get3A_707, %get3A_708] {strides = array<i32>} : memref<128x128xf32, #tpu.memory_space<vmem>>, vector<1x16xf32>,
          %get3A_710 = vector.shape_cast %get3A_709 : vector<1x16xf32> to vector<16xf32>
          %add3A_711 = arith.addf %add3A_655, %get3A_710 : vector<16xf32>
          %add3A_712 = arith.constant 6 : i32
          %add3A_713 = arith.addi %add3A_348, %add3A_712 : i32
          %get3A_714 = arith.index_cast %add3A_713 : i32 to index
          %get3A_715 = arith.constant 64 : index
          %get3A_716 = tpu.vector_load %arg7[%get3A_714, %get3A_715] {strides = array<i32>} : memref<128x128xf32, #tpu.memory_space<vmem>>, vector<1x16xf32>,
          %get3A_717 = vector.shape_cast %get3A_716 : vector<1x16xf32> to vector<16xf32>
          %add3A_718 = arith.addf %add3A_662, %get3A_717 : vector<16xf32>
          %add3A_719 = arith.constant 6 : i32
          %add3A_720 = arith.addi %add3A_348, %add3A_719 : i32
          %get3A_721 = arith.index_cast %add3A_720 : i32 to index
          %get3A_722 = arith.constant 80 : index
          %get3A_723 = tpu.vector_load %arg7[%get3A_721, %get3A_722] {strides = array<i32>} : memref<128x128xf32, #tpu.memory_space<vmem>>, vector<1x16xf32>,
          %get3A_724 = vector.shape_cast %get3A_723 : vector<1x16xf32> to vector<16xf32>
          %add3A_725 = arith.addf %add3A_669, %get3A_724 : vector<16xf32>
          %add3A_726 = arith.constant 6 : i32
          %add3A_727 = arith.addi %add3A_348, %add3A_726 : i32
          %get3A_728 = arith.index_cast %add3A_727 : i32 to index
          %get3A_729 = arith.constant 96 : index
          %get3A_730 = tpu.vector_load %arg7[%get3A_728, %get3A_729] {strides = array<i32>} : memref<128x128xf32, #tpu.memory_space<vmem>>, vector<1x16xf32>,
          %get3A_731 = vector.shape_cast %get3A_730 : vector<1x16xf32> to vector<16xf32>
          %add3A_732 = arith.addf %add3A_676, %get3A_731 : vector<16xf32>
          %add3A_733 = arith.constant 6 : i32
          %add3A_734 = arith.addi %add3A_348, %add3A_733 : i32
          %get3A_735 = arith.index_cast %add3A_734 : i32 to index
          %get3A_736 = arith.constant 112 : index
          %get3A_737 = tpu.vector_load %arg7[%get3A_735, %get3A_736] {strides = array<i32>} : memref<128x128xf32, #tpu.memory_space<vmem>>, vector<1x16xf32>,
          %get3A_738 = vector.shape_cast %get3A_737 : vector<1x16xf32> to vector<16xf32>
          %add3A_739 = arith.addf %add3A_683, %get3A_738 : vector<16xf32>
          %add3A_740 = arith.constant 7 : i32
          %add3A_741 = arith.addi %add3A_348, %add3A_740 : i32
          %get3A_742 = arith.index_cast %add3A_741 : i32 to index
          %get3A_743 = arith.constant 0 : index
          %get3A_744 = tpu.vector_load %arg7[%get3A_742, %get3A_743] {strides = array<i32>} : memref<128x128xf32, #tpu.memory_space<vmem>>, vector<1x16xf32>,
          %get3A_745 = vector.shape_cast %get3A_744 : vector<1x16xf32> to vector<16xf32>
          %add3A_746 = arith.addf %add3A_690, %get3A_745 : vector<16xf32>
          %add3A_747 = arith.constant 7 : i32
          %add3A_748 = arith.addi %add3A_348, %add3A_747 : i32
          %get3A_749 = arith.index_cast %add3A_748 : i32 to index
          %get3A_750 = arith.constant 16 : index
          %get3A_751 = tpu.vector_load %arg7[%get3A_749, %get3A_750] {strides = array<i32>} : memref<128x128xf32, #tpu.memory_space<vmem>>, vector<1x16xf32>,
          %get3A_752 = vector.shape_cast %get3A_751 : vector<1x16xf32> to vector<16xf32>
          %add3A_753 = arith.addf %add3A_697, %get3A_752 : vector<16xf32>
          %add3A_754 = arith.constant 7 : i32
          %add3A_755 = arith.addi %add3A_348, %add3A_754 : i32
          %get3A_756 = arith.index_cast %add3A_755 : i32 to index
          %get3A_757 = arith.constant 32 : index
          %get3A_758 = tpu.vector_load %arg7[%get3A_756, %get3A_757] {strides = array<i32>} : memref<128x128xf32, #tpu.memory_space<vmem>>, vector<1x16xf32>,
          %get3A_759 = vector.shape_cast %get3A_758 : vector<1x16xf32> to vector<16xf32>
          %add3A_760 = arith.addf %add3A_704, %get3A_759 : vector<16xf32>
          %add3A_761 = arith.constant 7 : i32
          %add3A_762 = arith.addi %add3A_348, %add3A_761 : i32
          %get3A_763 = arith.index_cast %add3A_762 : i32 to index
          %get3A_764 = arith.constant 48 : index
          %get3A_765 = tpu.vector_load %arg7[%get3A_763, %get3A_764] {strides = array<i32>} : memref<128x128xf32, #tpu.memory_space<vmem>>, vector<1x16xf32>,
          %get3A_766 = vector.shape_cast %get3A_765 : vector<1x16xf32> to vector<16xf32>
          %add3A_767 = arith.addf %add3A_711, %get3A_766 : vector<16xf32>
          %add3A_768 = arith.constant 7 : i32
          %add3A_769 = arith.addi %add3A_348, %add3A_768 : i32
          %get3A_770 = arith.index_cast %add3A_769 : i32 to index
          %get3A_771 = arith.constant 64 : index
          %get3A_772 = tpu.vector_load %arg7[%get3A_770, %get3A_771] {strides = array<i32>} : memref<128x128xf32, #tpu.memory_space<vmem>>, vector<1x16xf32>,
          %get3A_773 = vector.shape_cast %get3A_772 : vector<1x16xf32> to vector<16xf32>
          %add3A_774 = arith.addf %add3A_718, %get3A_773 : vector<16xf32>
          %add3A_775 = arith.constant 7 : i32
          %add3A_776 = arith.addi %add3A_348, %add3A_775 : i32
          %get3A_777 = arith.index_cast %add3A_776 : i32 to index
          %get3A_778 = arith.constant 80 : index
          %get3A_779 = tpu.vector_load %arg7[%get3A_777, %get3A_778] {strides = array<i32>} : memref<128x128xf32, #tpu.memory_space<vmem>>, vector<1x16xf32>,
          %get3A_780 = vector.shape_cast %get3A_779 : vector<1x16xf32> to vector<16xf32>
          %add3A_781 = arith.addf %add3A_725, %get3A_780 : vector<16xf32>
          %add3A_782 = arith.constant 7 : i32
          %add3A_783 = arith.addi %add3A_348, %add3A_782 : i32
          %get3A_784 = arith.index_cast %add3A_783 : i32 to index
          %get3A_785 = arith.constant 96 : index
          %get3A_786 = tpu.vector_load %arg7[%get3A_784, %get3A_785] {strides = array<i32>} : memref<128x128xf32, #tpu.memory_space<vmem>>, vector<1x16xf32>,
          %get3A_787 = vector.shape_cast %get3A_786 : vector<1x16xf32> to vector<16xf32>
          %add3A_788 = arith.addf %add3A_732, %get3A_787 : vector<16xf32>
          %add3A_789 = arith.constant 7 : i32
          %add3A_790 = arith.addi %add3A_348, %add3A_789 : i32
          %get3A_791 = arith.index_cast %add3A_790 : i32 to index
          %get3A_792 = arith.constant 112 : index
          %get3A_793 = tpu.vector_load %arg7[%get3A_791, %get3A_792] {strides = array<i32>} : memref<128x128xf32, #tpu.memory_space<vmem>>, vector<1x16xf32>,
          %get3A_794 = vector.shape_cast %get3A_793 : vector<1x16xf32> to vector<16xf32>
          %add3A_795 = arith.addf %add3A_739, %get3A_794 : vector<16xf32>
          scf.yield %add3A_746, %add3A_753, %add3A_760, %add3A_767, %add3A_774, %add3A_781, %add3A_788, %add3A_795 : vector<16xf32>, vector<16xf32>, vector<16xf32>, vector<16xf32>, vector<16xf32>, vector<16xf32>, vector<16xf32>, vector<16xf32>
        }
        %scan3A_287 = arith.constant 4 : i32
        %add3A_288 = arith.addi %add3A_214, %scan3A_266 : i32
        %swap3A = arith.index_cast %add3A_288 : i32 to index
        %swap3A_289 = arith.constant 0 : index
        %swap3A_290 = tpu.vector_load %arg8[%swap3A, %swap3A_289] {strides = array<i32>} : memref<16x128xf32, #tpu.memory_space<vmem>>, vector<1x16xf32>,
        %swap3A_291 = vector.shape_cast %swap3A_290 : vector<1x16xf32> to vector<16xf32>
        %swap3A_292 = vector.shape_cast %scan3A_286#0 : vector<16xf32> to vector<1x16xf32>
        tpu.vector_store %arg8[%swap3A, %swap3A_289], %swap3A_292 {strides = array<i32>} : memref<16x128xf32, #tpu.memory_space<vmem>>, vector<1x16xf32>,
        %add3A_293 = arith.addi %add3A_214, %scan3A_266 : i32
        %swap3A_294 = arith.index_cast %add3A_293 : i32 to index
        %swap3A_295 = arith.constant 16 : index
        %swap3A_296 = tpu.vector_load %arg8[%swap3A_294, %swap3A_295] {strides = array<i32>} : memref<16x128xf32, #tpu.memory_space<vmem>>, vector<1x16xf32>,
        %swap3A_297 = vector.shape_cast %swap3A_296 : vector<1x16xf32> to vector<16xf32>
        %swap3A_298 = vector.shape_cast %scan3A_286#1 : vector<16xf32> to vector<1x16xf32>
        tpu.vector_store %arg8[%swap3A_294, %swap3A_295], %swap3A_298 {strides = array<i32>} : memref<16x128xf32, #tpu.memory_space<vmem>>, vector<1x16xf32>,
        %add3A_299 = arith.addi %add3A_214, %scan3A_266 : i32
        %swap3A_300 = arith.index_cast %add3A_299 : i32 to index
        %swap3A_301 = arith.constant 32 : index
        %swap3A_302 = tpu.vector_load %arg8[%swap3A_300, %swap3A_301] {strides = array<i32>} : memref<16x128xf32, #tpu.memory_space<vmem>>, vector<1x16xf32>,
        %swap3A_303 = vector.shape_cast %swap3A_302 : vector<1x16xf32> to vector<16xf32>
        %swap3A_304 = vector.shape_cast %scan3A_286#2 : vector<16xf32> to vector<1x16xf32>
        tpu.vector_store %arg8[%swap3A_300, %swap3A_301], %swap3A_304 {strides = array<i32>} : memref<16x128xf32, #tpu.memory_space<vmem>>, vector<1x16xf32>,
        %add3A_305 = arith.addi %add3A_214, %scan3A_266 : i32
        %swap3A_306 = arith.index_cast %add3A_305 : i32 to index
        %swap3A_307 = arith.constant 48 : index
        %swap3A_308 = tpu.vector_load %arg8[%swap3A_306, %swap3A_307] {strides = array<i32>} : memref<16x128xf32, #tpu.memory_space<vmem>>, vector<1x16xf32>,
        %swap3A_309 = vector.shape_cast %swap3A_308 : vector<1x16xf32> to vector<16xf32>
        %swap3A_310 = vector.shape_cast %scan3A_286#3 : vector<16xf32> to vector<1x16xf32>
        tpu.vector_store %arg8[%swap3A_306, %swap3A_307], %swap3A_310 {strides = array<i32>} : memref<16x128xf32, #tpu.memory_space<vmem>>, vector<1x16xf32>,
        %add3A_311 = arith.addi %add3A_214, %scan3A_266 : i32
        %swap3A_312 = arith.index_cast %add3A_311 : i32 to index
        %swap3A_313 = arith.constant 64 : index
        %swap3A_314 = tpu.vector_load %arg8[%swap3A_312, %swap3A_313] {strides = array<i32>} : memref<16x128xf32, #tpu.memory_space<vmem>>, vector<1x16xf32>,
        %swap3A_315 = vector.shape_cast %swap3A_314 : vector<1x16xf32> to vector<16xf32>
        %swap3A_316 = vector.shape_cast %scan3A_286#4 : vector<16xf32> to vector<1x16xf32>
        tpu.vector_store %arg8[%swap3A_312, %swap3A_313], %swap3A_316 {strides = array<i32>} : memref<16x128xf32, #tpu.memory_space<vmem>>, vector<1x16xf32>,
        %add3A_317 = arith.addi %add3A_214, %scan3A_266 : i32
        %swap3A_318 = arith.index_cast %add3A_317 : i32 to index
        %swap3A_319 = arith.constant 80 : index
        %swap3A_320 = tpu.vector_load %arg8[%swap3A_318, %swap3A_319] {strides = array<i32>} : memref<16x128xf32, #tpu.memory_space<vmem>>, vector<1x16xf32>,
        %swap3A_321 = vector.shape_cast %swap3A_320 : vector<1x16xf32> to vector<16xf32>
        %swap3A_322 = vector.shape_cast %scan3A_286#5 : vector<16xf32> to vector<1x16xf32>
        tpu.vector_store %arg8[%swap3A_318, %swap3A_319], %swap3A_322 {strides = array<i32>} : memref<16x128xf32, #tpu.memory_space<vmem>>, vector<1x16xf32>,
        %add3A_323 = arith.addi %add3A_214, %scan3A_266 : i32
        %swap3A_324 = arith.index_cast %add3A_323 : i32 to index
        %swap3A_325 = arith.constant 96 : index
        %swap3A_326 = tpu.vector_load %arg8[%swap3A_324, %swap3A_325] {strides = array<i32>} : memref<16x128xf32, #tpu.memory_space<vmem>>, vector<1x16xf32>,
        %swap3A_327 = vector.shape_cast %swap3A_326 : vector<1x16xf32> to vector<16xf32>
        %swap3A_328 = vector.shape_cast %scan3A_286#6 : vector<16xf32> to vector<1x16xf32>
        tpu.vector_store %arg8[%swap3A_324, %swap3A_325], %swap3A_328 {strides = array<i32>} : memref<16x128xf32, #tpu.memory_space<vmem>>, vector<1x16xf32>,
        %add3A_329 = arith.addi %add3A_214, %scan3A_266 : i32
        %swap3A_330 = arith.index_cast %add3A_329 : i32 to index
        %swap3A_331 = arith.constant 112 : index
        %swap3A_332 = tpu.vector_load %arg8[%swap3A_330, %swap3A_331] {strides = array<i32>} : memref<16x128xf32, #tpu.memory_space<vmem>>, vector<1x16xf32>,
        %swap3A_333 = vector.shape_cast %swap3A_332 : vector<1x16xf32> to vector<16xf32>
        %swap3A_334 = vector.shape_cast %scan3A_286#7 : vector<16xf32> to vector<1x16xf32>
        tpu.vector_store %arg8[%swap3A_330, %swap3A_331], %swap3A_334 {strides = array<i32>} : memref<16x128xf32, #tpu.memory_space<vmem>>, vector<1x16xf32>,
      }
      %scan3A_244 = arith.constant 4 : i32
      %jit3A_245 = arith.constant 2 : i32
      %eq3A_246 = arith.constant 0 : i32
      %eq3A_247 = arith.cmpi eq, %jit3A_245, %eq3A_246 : i32
      %jit3A_248 = arith.constant 1 : i32
      %select_n3A_249 = arith.select %eq3A_247, %jit3A_248, %jit3A_245 : i32
      %rem3A_250 = arith.remsi %add3A_57, %select_n3A_249 : i32
      %ne3A_251 = arith.constant 0 : i32
      %ne3A_252 = arith.cmpi ne, %rem3A_250, %ne3A_251 : i32
      %lt3A_253 = arith.constant 0 : i32
      %lt3A_254 = arith.cmpi slt, %rem3A_250, %lt3A_253 : i32
      %lt3A_255 = arith.constant 0 : i32
      %lt3A_256 = arith.cmpi slt, %select_n3A_249, %lt3A_255 : i32
      %ne3A_257 = arith.xori %lt3A_254, %lt3A_256 : i1
      %and3A_258 = arith.andi %ne3A_257, %ne3A_252 : i1
      %add3A_259 = arith.addi %rem3A_250, %select_n3A_249 : i32
      %select_n3A_260 = arith.select %and3A_258, %add3A_259, %rem3A_250 : i32
      %eq3A_261 = arith.constant 1 : i32
      %eq3A_262 = arith.cmpi eq, %select_n3A_260, %eq3A_261 : i32
      %convert_element_type3A_263 = arith.extui %eq3A_262 : i1 to i32
      %cond3A_264 = arith.constant 0 : i32
      %cond3A_265 = arith.cmpi ne, %convert_element_type3A_263, %cond3A_264 : i32
      scf.if %cond3A_265 {
        %sub3A_266 = arith.constant 1 : i32
        %sub3A_267 = arith.subi %add3A_57, %sub3A_266 : i32
        %mul3A_268 = arith.constant 4 : i32
        %mul3A_269 = arith.muli %sub3A_267, %mul3A_268 : i32
        %add3A_270 = arith.addi %multiple_of3A_11, %mul3A_269 : i32
        %multiple_of3A_271 = tpu.assume_multiple %add3A_270, 8 : i32
        %eq3A_272 = arith.constant 0 : i32
        %eq3A_273 = arith.cmpi eq, %rem3A_193, %eq3A_272 : i32
        %convert_element_type3A_274 = arith.extui %eq3A_273 : i1 to i32
        %cond3A_275 = arith.constant 0 : i32
        %cond3A_276 = arith.cmpi ne, %convert_element_type3A_274, %cond3A_275 : i32
        scf.if %cond3A_276 {
          %dma_start3A_282 = arith.constant 0 : i32
          %dma_start3A_283 = arith.constant 0 : i32
          %dma_start3A_284 = tpu.memref_slice %arg8[%dma_start3A_282, %dma_start3A_283] : memref<16x128xf32, #tpu.memory_space<vmem>> -> memref<8x128xf32, #tpu.memory_space<vmem>>
          %dma_start3A_285 = arith.constant 0 : i32
          %dma_start3A_286 = tpu.memref_slice %arg4[%multiple_of3A_271, %dma_start3A_285] : memref<10000x128xf32, #tpu.memory_space<hbm>> -> memref<8x128xf32, #tpu.memory_space<hbm>>
          %dma_start3A_287 = arith.constant 0 : i32
          %dma_start3A_288 = tpu.memref_slice %arg4[%multiple_of3A_271, %dma_start3A_287] : memref<10000x128xf32, #tpu.memory_space<hbm>> -> memref<8x128xf32, #tpu.memory_space<hbm>>
          %dma_start3A_289 = arith.constant 0 : i32
          %dma_start3A_290 = arith.constant 0 : i32
          %dma_start3A_291 = tpu.memref_slice %arg8[%dma_start3A_289, %dma_start3A_290] : memref<16x128xf32, #tpu.memory_space<vmem>> -> memref<8x128xf32, #tpu.memory_space<vmem>>
          tpu.enqueue_dma source(%dma_start3A_291 : memref<8x128xf32, #tpu.memory_space<vmem>>) target(%dma_start3A_288 : memref<8x128xf32, #tpu.memory_space<hbm>>) target_semaphore(%arg12 : memref<!tpu.dma_semaphore, #tpu.memory_space<semaphore_mem>>)
        } else {
        }
        %eq3A_277 = arith.constant 1 : i32
        %eq3A_278 = arith.cmpi eq, %rem3A_193, %eq3A_277 : i32
        %convert_element_type3A_279 = arith.extui %eq3A_278 : i1 to i32
        %cond3A_280 = arith.constant 0 : i32
        %cond3A_281 = arith.cmpi ne, %convert_element_type3A_279, %cond3A_280 : i32
        scf.if %cond3A_281 {
          %dma_start3A_282 = arith.constant 8 : i32
          %dma_start3A_283 = arith.constant 0 : i32
          %dma_start3A_284 = tpu.memref_slice %arg8[%dma_start3A_282, %dma_start3A_283] : memref<16x128xf32, #tpu.memory_space<vmem>> -> memref<8x128xf32, #tpu.memory_space<vmem>>
          %dma_start3A_285 = arith.constant 0 : i32
          %dma_start3A_286 = tpu.memref_slice %arg4[%multiple_of3A_271, %dma_start3A_285] : memref<10000x128xf32, #tpu.memory_space<hbm>> -> memref<8x128xf32, #tpu.memory_space<hbm>>
          %dma_start3A_287 = arith.constant 0 : i32
          %dma_start3A_288 = tpu.memref_slice %arg4[%multiple_of3A_271, %dma_start3A_287] : memref<10000x128xf32, #tpu.memory_space<hbm>> -> memref<8x128xf32, #tpu.memory_space<hbm>>
          %dma_start3A_289 = arith.constant 8 : i32
          %dma_start3A_290 = arith.constant 0 : i32
          %dma_start3A_291 = tpu.memref_slice %arg8[%dma_start3A_289, %dma_start3A_290] : memref<16x128xf32, #tpu.memory_space<vmem>> -> memref<8x128xf32, #tpu.memory_space<vmem>>
          tpu.enqueue_dma source(%dma_start3A_291 : memref<8x128xf32, #tpu.memory_space<vmem>>) target(%dma_start3A_288 : memref<8x128xf32, #tpu.memory_space<hbm>>) target_semaphore(%arg13 : memref<!tpu.dma_semaphore, #tpu.memory_space<semaphore_mem>>)
        } else {
        }
      } else {
      }
    }
    %scan3A_26 = arith.constant 40 : i32
    %add3A_27 = arith.constant 304 : i32
    %add3A_28 = arith.addi %multiple_of3A_11, %add3A_27 : i32
    %multiple_of3A_29 = tpu.assume_multiple %add3A_28, 8 : i32
    %add3A_30 = arith.constant 312 : i32
    %add3A_31 = arith.addi %multiple_of3A_11, %add3A_30 : i32
    %multiple_of3A_32 = tpu.assume_multiple %add3A_31, 8 : i32
    %dma_wait3A_33 = arith.constant 0 : i32
    %dma_wait3A_34 = arith.constant 0 : i32
    %dma_wait3A_35 = tpu.memref_slice %arg8[%dma_wait3A_33, %dma_wait3A_34] : memref<16x128xf32, #tpu.memory_space<vmem>> -> memref<8x128xf32, #tpu.memory_space<vmem>>
    %dma_wait3A_36 = arith.constant 0 : i32
    %dma_wait3A_37 = tpu.memref_slice %arg4[%multiple_of3A_29, %dma_wait3A_36] : memref<10000x128xf32, #tpu.memory_space<hbm>> -> memref<8x128xf32, #tpu.memory_space<hbm>>
    %dma_wait3A_38 = arith.constant 0 : i32
    %dma_wait3A_39 = tpu.memref_slice %arg4[%multiple_of3A_29, %dma_wait3A_38] : memref<10000x128xf32, #tpu.memory_space<hbm>> -> memref<8x128xf32, #tpu.memory_space<hbm>>
    %dma_wait3A_40 = arith.constant 0 : i32
    %dma_wait3A_41 = arith.constant 0 : i32
    %dma_wait3A_42 = tpu.memref_slice %arg8[%dma_wait3A_40, %dma_wait3A_41] : memref<16x128xf32, #tpu.memory_space<vmem>> -> memref<8x128xf32, #tpu.memory_space<vmem>>
    tpu.wait_dma2 semaphore(%arg12 : memref<!tpu.dma_semaphore, #tpu.memory_space<semaphore_mem>>) src(%dma_wait3A_42 : memref<8x128xf32, #tpu.memory_space<vmem>>) dst(%dma_wait3A_39 : memref<8x128xf32, #tpu.memory_space<hbm>>)
    %dma_wait3A_43 = arith.constant 8 : i32
    %dma_wait3A_44 = arith.constant 0 : i32
    %dma_wait3A_45 = tpu.memref_slice %arg8[%dma_wait3A_43, %dma_wait3A_44] : memref<16x128xf32, #tpu.memory_space<vmem>> -> memref<8x128xf32, #tpu.memory_space<vmem>>
    %dma_wait3A_46 = arith.constant 0 : i32
    %dma_wait3A_47 = tpu.memref_slice %arg4[%multiple_of3A_32, %dma_wait3A_46] : memref<10000x128xf32, #tpu.memory_space<hbm>> -> memref<8x128xf32, #tpu.memory_space<hbm>>
    %dma_wait3A_48 = arith.constant 0 : i32
    %dma_wait3A_49 = tpu.memref_slice %arg4[%multiple_of3A_32, %dma_wait3A_48] : memref<10000x128xf32, #tpu.memory_space<hbm>> -> memref<8x128xf32, #tpu.memory_space<hbm>>
    %dma_wait3A_50 = arith.constant 8 : i32
    %dma_wait3A_51 = arith.constant 0 : i32
    %dma_wait3A_52 = tpu.memref_slice %arg8[%dma_wait3A_50, %dma_wait3A_51] : memref<16x128xf32, #tpu.memory_space<vmem>> -> memref<8x128xf32, #tpu.memory_space<vmem>>
    tpu.wait_dma2 semaphore(%arg13 : memref<!tpu.dma_semaphore, #tpu.memory_space<semaphore_mem>>) src(%dma_wait3A_52 : memref<8x128xf32, #tpu.memory_space<vmem>>) dst(%dma_wait3A_49 : memref<8x128xf32, #tpu.memory_space<hbm>>)
    return
  }
}

module attributes {stable_mosaic.version = 14 : i64} {
  func.func @_tc_body(%arg0: i32, %arg1: memref<1x1xf32, #tpu.memory_space<smem>>, %arg2: memref<2000x128xf32, #tpu.memory_space<vmem>>, %arg3: memref<2000x128xf32, #tpu.memory_space<vmem>>, %arg4: memref<128x128xf32, #tpu.memory_space<vmem>>, %arg5: memref<1x128xf32, #tpu.memory_space<vmem>>, %arg6: memref<2000x128xf32, #tpu.memory_space<vmem>>) attributes {dimension_semantics = [#tpu.dimension_semantics<arbitrary>], iteration_bounds = array<i64: 5>, scalar_prefetch = 0 : i64, scratch_operands = 0 : i64, tpu.core_type = #tpu.core_type<tc>, window_params = [{transform_indices = @transform_0, window_bounds = array<i64: 1, 1>}, {transform_indices = @transform_1, window_bounds = array<i64: 2000, 128>}, {transform_indices = @transform_2, window_bounds = array<i64: 2000, 128>}, {pipeline_mode = #tpu.pipeline_mode<synchronous>, transform_indices = @transform_3, window_bounds = array<i64: 128, 128>}, {pipeline_mode = #tpu.pipeline_mode<synchronous>, transform_indices = @transform_4, window_bounds = array<i64: 1, 128>}, {transform_indices = @transform_5, window_bounds = array<i64: 2000, 128>}]} {
    %get3A = arith.constant 0 : index
    %get3A_0 = arith.constant 0 : index
    %get3A_1 = memref.load %arg1[%get3A, %get3A_0] : memref<1x1xf32, #tpu.memory_space<smem>>
    %add3A = arith.constant 1.000000e+00 : f32
    %add3A_2 = arith.addf %add3A, %get3A_1 : f32
    %get3A_3 = arith.constant 0 : index
    %get3A_4 = arith.constant 0 : index
    %get3A_5 = vector.load %arg2[%get3A_3, %get3A_4] : memref<2000x128xf32, #tpu.memory_space<vmem>>, vector<2000x128xf32>
    %mul3A = vector.broadcast %add3A_2 : f32 to vector<2000x128xf32>
    %mul3A_6 = arith.mulf %mul3A, %get3A_5 : vector<2000x128xf32>
    %get3A_7 = arith.constant 0 : index
    %get3A_8 = arith.constant 0 : index
    %get3A_9 = vector.load %arg3[%get3A_7, %get3A_8] : memref<2000x128xf32, #tpu.memory_space<vmem>>, vector<2000x128xf32>
    %add3A_10 = arith.addf %mul3A_6, %get3A_9 : vector<2000x128xf32>
    %get3A_11 = arith.constant 0 : index
    %get3A_12 = arith.constant 0 : index
    %get3A_13 = vector.load %arg4[%get3A_11, %get3A_12] : memref<128x128xf32, #tpu.memory_space<vmem>>, vector<128x128xf32>
    %dot_general3A = arith.constant dense<0.000000e+00> : vector<2000x128xf32>
    %dot_general3A_14 = tpu.matmul %add3A_10, %get3A_13, %dot_general3A {dimension_numbers = #tpu.dot_dimension_numbers<[1], [1], [0], [0], [0, 0, 1, 0], [], []>, transpose_lhs_hint = false} : vector<2000x128xf32>, vector<128x128xf32>, vector<2000x128xf32> -> vector<2000x128xf32>
    %get3A_15 = arith.constant 0 : index
    %get3A_16 = arith.constant 0 : index
    %get3A_17 = vector.load %arg5[%get3A_15, %get3A_16] : memref<1x128xf32, #tpu.memory_space<vmem>>, vector<1x128xf32>
    %add3A_18 = vector.broadcast %get3A_17 : vector<1x128xf32> to vector<2000x128xf32>
    %add3A_19 = arith.addf %dot_general3A_14, %add3A_18 : vector<2000x128xf32>
    %swap3A = arith.constant 0 : index
    %swap3A_20 = arith.constant 0 : index
    %swap3A_21 = vector.load %arg6[%swap3A, %swap3A_20] : memref<2000x128xf32, #tpu.memory_space<vmem>>, vector<2000x128xf32>
    tpu.vector_store %arg6[%swap3A, %swap3A_20], %add3A_19 {strides = array<i32>} : memref<2000x128xf32, #tpu.memory_space<vmem>>, vector<2000x128xf32>,
    return
  }
  func.func @transform_0(%arg0: i32) -> (i32, i32) {
    %c0_i32 = arith.constant 0 : i32
    %c0_i32_0 = arith.constant 0 : i32
    %c0_i32_1 = arith.constant 0 : i32
    return %c0_i32, %c0_i32_0 : i32, i32
  }
  func.func @transform_1(%arg0: i32) -> (i32, i32) {
    %c0_i32 = arith.constant 0 : i32
    %c0_i32_0 = arith.constant 0 : i32
    return %arg0, %c0_i32 : i32, i32
  }
  func.func @transform_2(%arg0: i32) -> (i32, i32) {
    %c0_i32 = arith.constant 0 : i32
    %c0_i32_0 = arith.constant 0 : i32
    return %arg0, %c0_i32 : i32, i32
  }
  func.func @transform_3(%arg0: i32) -> (i32, i32) {
    %c0_i32 = arith.constant 0 : i32
    %c0_i32_0 = arith.constant 0 : i32
    %c0_i32_1 = arith.constant 0 : i32
    return %c0_i32, %c0_i32_0 : i32, i32
  }
  func.func @transform_4(%arg0: i32) -> (i32, i32) {
    %c0_i32 = arith.constant 0 : i32
    %c0_i32_0 = arith.constant 0 : i32
    %c0_i32_1 = arith.constant 0 : i32
    return %c0_i32, %c0_i32_0 : i32, i32
  }
  func.func @transform_5(%arg0: i32) -> (i32, i32) {
    %c0_i32 = arith.constant 0 : i32
    %c0_i32_0 = arith.constant 0 : i32
    return %arg0, %c0_i32 : i32, i32
  }
}

</mosaic_0001>

<sc_bundles>
// kernel: kernel.4.cloned.1.call-start
scs
__scs_entry_jumppad:
0x0: {  	(pc) =	sbr.rel $0x88, $3  }
0x1: {  	(tag) =	ssettag $0x0;
	lr =	simm.s32 $0x1  }
0x2: {  	[smem:$0x3F9C] =	sst lr;
	_ =	strace $0xD0000000  }
0x3: {  	_ = 	snop  }
0x4: {  	_ = 	snop  }
0x5: {  	_ = 	snop  }
0x6: {  	_ = 	snop  }
0x7: {  	_ = 	snop  }
__scs_overlays_trampoline_lowered:
0x8: {  	[smem:$0x3FAB] =	sst s0  }
0x9: {  	[smem:$0x3FAC] =	sst s1  }
0xa: {  	[smem:$0x3FAD] =	sst s2  }
0xb: {  	[smem:$0x3FAE] =	sst s3  }
0xc: {  	[smem:$0x3FAF] =	sst s4  }
0xd: {  	[smem:$0x3FB0] =	sst s5  }
0xe: {  	[smem:$0x3FB1] =	sst s6  }
0xf: {  	[smem:$0x3FB2] =	sst s7  }
0x10: {  	[smem:$0x3FB3] =	sst s8  }
0x11: {  	[smem:$0x3FB4] =	sst s9;
	s0 =	simm.s32 @!p0 $0x0  }
0x12: {  	s1 =	sld [smem:$0x3F9A];
	s0 =	simm.s32 @p0 $0x1  }
0x13: {  	[smem:$0x3FB5] =	sst s0;
	s0 =	simm.s32 @!p1 $0x0  }
0x14: {  	s2 =	sld [smem:$0x3F99];
	s0 =	simm.s32 @p1 $0x1  }
0x15: {  	[smem:$0x3FB6] =	sst s0;
	s0 =	simm.s32 @!p2 $0x0  }
0x16: {  	s3 =	sld [smem:$0x3FDB];
	s0 =	simm.s32 @p2 $0x1  }
0x17: {  	s4 =	simm.s32 $0x1BF5;
	[smem:$0x3FB8] =	sst s0  }
0x18: {  	s0 =	sld [smem:$0x3F9B];
	_ =	swait.ge [sflag:s4], $0x0  }
0x19: {  	s7 =	sld [smem:$0x3F9C]  }
0x1a: {  	s8 =	sadd.s32 $0xFFFFE003, lr  }
0x1b: {  	s9 =	sadd.s32 $0xFFFFFEF7, lr;
	s5 =	simm.s32 $0xFFFFFFFF;
	p2 =	slt.u32 s8, $0xFFFFF086  }
0x1c: {  	p1 =	slt.u32 s9, $0xF7A;
	s5 =	simm.s32 @!p2 $0x0  }
0x1d: {  	s5 =	simm.s32 @p1 $0x1;
	p0 =	seq.s32 s7, s2  }
0x1e: {  	s7 =	smul.u32 @!p0 $0xF7A, s2;
	p2 =	seq.s32 @!p0 s5, $0x0  }
0x1f: {  	s9 =	smul.u32 $0xF7A, s1;
	s8 =	simm.s32 @!p0 $0x1BF5;
	p2 =	por !p2, p0  }
0x20: {  	[sflag:s8] =	ssyncset.s32 @!p0 $0xFFFFF086;
	s6 =	sadd.s32 @!p0 s3, s7;
	s7 =	simm.s32 @!p0 $0x108  }
0x21: {  	s3 =	sadd.s32 s3, s9;
	s6 =	sadd.s32 @!p0 $0x88, s6;
	s7 =	simm.s32 @p2 $0x1082  }
0x22: {  	[simem:s7], [sflag:s8] =	dma.local @!p0 [hbm:s6], $0xF7A  }
0x23: {  	s9 =	sor.u32 $0xD0000000, s2;
	s6 =	simm.s32 $0x108;
	_ =	swait.ge @!p0 [sflag:s8], $0x0  }
0x24: {  	s3 =	sadd.s32 $0x88, s3;
	s6 =	simm.s32 @!p1 $0x1082;
	[sflag:s4] =	ssyncset.s32 $0xFFFFF086  }
0x25: {  	[simem:s6], [sflag:s4] =	dma.local [hbm:s3], $0xF7A  }
0x26: {  	[smem:$0x3F9C] =	sst s1;
	(tag) =	ssettag s2;
	_ =	strace s9  }
0x27: {  	s1 =	sld [smem:$0x3FAC]  }
0x28: {  	s2 =	sld [smem:$0x3FAD]  }
0x29: {  	s4 =	sld [smem:$0x3FAF]  }
0x2a: {  	p0 =	seq.s32 s5, $0x0;
	s5 =	sld [smem:$0x3FB0]  }
0x2b: {  	s6 =	sld [smem:$0x3FB1]  }
0x2c: {  	s7 =	sld [smem:$0x3FB2]  }
0x2d: {  	s3 =	simm.s32 $0x108;
	s8 =	sld [smem:$0x3FB3]  }
0x2e: {  	s3 =	simm.s32 @!p0 $0x1082;
	s9 =	sld [smem:$0x3FB4]  }
0x2f: {  	lr =	sadd.s32 s0, s3;
	s0 =	sld [smem:$0x3FAB]  }
0x30: {  	s3 =	sld [smem:$0x3FAE]  }
0x31: {  	[smem:$0x3FB7] =	sst s10  }
0x32: {  	s10 =	sld [smem:$0x3FB5];
	_ =	sdelay $0x3  }
0x33: {  	p0 =	seq.s32 s10, $0x1;
	s10 =	sld [smem:$0x3FB7];
	_ =	sdelay $0x3  }
0x34: {  	[smem:$0x3FB7] =	sst s10  }
0x35: {  	s10 =	sld [smem:$0x3FB6];
	_ =	sdelay $0x3  }
0x36: {  	p1 =	seq.s32 s10, $0x1;
	s10 =	sld [smem:$0x3FB7];
	_ =	sdelay $0x3  }
0x37: {  	[smem:$0x3FB7] =	sst s10  }
0x38: {  	s10 =	sld [smem:$0x3FB8]  }
0x39: {  	_ = 	snop;
	(pc) =	sbr.ind lr, $3  }
0x3a: {  	_ = 	snop  }
0x3b: {  	_ = 	snop  }
0x3c: {  	p2 =	seq.s32 s10, $0x1;
	s10 =	sld [smem:$0x3FB7]  }
0x3d: {  	_ =	shalt  }
0x3e: {  	_ =	shalt  }
0x3f: {  	_ =	shalt  }
0x40: {  	_ =	shalt  }
0x41: {  	_ =	shalt  }
0x42: {  	_ =	shalt  }
0x43: {  	_ =	shalt  }
0x44: {  	_ =	shalt  }
0x45: {  	_ =	shalt  }
0x46: {  	_ =	shalt  }
0x47: {  	_ =	shalt  }
0x48: {  	_ =	shalt  }
0x49: {  	_ =	shalt  }
0x4a: {  	_ =	shalt  }
0x4b: {  	_ =	shalt  }
0x4c: {  	_ =	shalt  }
0x4d: {  	_ =	shalt  }
0x4e: {  	_ =	shalt  }
0x4f: {  	_ =	shalt  }
0x50: {  	_ =	shalt  }
0x51: {  	_ =	shalt  }
0x52: {  	_ =	shalt  }
0x53: {  	_ =	shalt  }
0x54: {  	_ =	shalt  }
0x55: {  	_ =	shalt  }
0x56: {  	_ =	shalt  }
0x57: {  	_ =	shalt  }
0x58: {  	_ =	shalt  }
0x59: {  	_ =	shalt  }
0x5a: {  	_ =	shalt  }
0x5b: {  	_ =	shalt  }
0x5c: {  	_ =	shalt  }
0x5d: {  	_ =	shalt  }
0x5e: {  	_ =	shalt  }
0x5f: {  	_ =	shalt  }
0x60: {  	_ =	shalt  }
0x61: {  	_ =	shalt  }
0x62: {  	_ =	shalt  }
0x63: {  	_ =	shalt  }
0x64: {  	_ =	shalt  }
0x65: {  	_ =	shalt  }
0x66: {  	_ =	shalt  }
0x67: {  	_ =	shalt  }
0x68: {  	_ =	shalt  }
0x69: {  	_ =	shalt  }
0x6a: {  	_ =	shalt  }
0x6b: {  	_ =	shalt  }
0x6c: {  	_ =	shalt  }
0x6d: {  	_ =	shalt  }
0x6e: {  	_ =	shalt  }
0x6f: {  	_ =	shalt  }
0x70: {  	_ =	shalt  }
0x71: {  	_ =	shalt  }
0x72: {  	_ =	shalt  }
0x73: {  	_ =	shalt  }
0x74: {  	_ =	shalt  }
0x75: {  	_ =	shalt  }
0x76: {  	_ =	shalt  }
0x77: {  	_ =	shalt  }
0x78: {  	_ =	shalt  }
0x79: {  	_ =	shalt  }
0x7a: {  	_ =	shalt  }
0x7b: {  	_ =	shalt  }
0x7c: {  	_ =	shalt  }
0x7d: {  	_ =	shalt  }
0x7e: {  	_ =	shalt  }
0x7f: {  	_ =	shalt  }
0x80: {  	_ =	shalt  }
0x81: {  	_ =	shalt  }
0x82: {  	_ =	shalt  }
0x83: {  	_ =	shalt  }
0x84: {  	_ =	shalt  }
0x85: {  	_ =	shalt  }
0x86: {  	_ =	shalt  }
0x87: {  	_ =	shalt  }
.Lfunc_end0:
.L_simem_size_0:
called_computation_lowered:
.L_overlay_start_0:
0x88: {  	s2 =	sld [smem:$0x3FD9]  }
0x89: {  	s3 =	sld [smem:$0x3FFE];
	_ =	sdelay $0x1  }
0x8a: {  	s1 =	srdreg.scid  }
0x8b: {  	s0 =	sand.u32 $0x1, s1  }
0x8c: {  	s17 =	sshll.u32 s0, $0xA;
	s2 =	sadd.s32 s3, s2  }
0x8d: {  	s2 =	sadd.s32 s2, s17  }
0x8e: {  	[smem:$0x3FC3] =	sst s2  }
0x8f: {  	_ = 	snop  }
0x90: {  	s2 =	sld [smem:$0x3FC9]  }
0x91: {  	s18 =	sld [smem:$0x3FD0];
	(tm) =	ssettm $0x1  }
0x92: {  	s4 =	sld [smem:$0x3FFB];
	_ =	sdelay $0x3  }
0x93: {  	_ =	strace s4  }
0x94: {  	s4 =	sld [smem:$0x3FFC];
	_ =	sdelay $0x3  }
0x95: {  	_ =	strace s4  }
0x96: {  	s4 =	sld [smem:$0x3FFD];
	_ =	sdelay $0x3  }
0x97: {  	_ =	strace s4  }
0x98: {  	_ =	strace $0x8FFFFFFF  }
0x99: {  	s19 =	sld [smem:$0x3FDB];
	_ =	sdelay $0x1  }
0x9a: {  	s5 =	simm.s32 $_scs_section_size  }
0x9b: {  	s6 =	simm.s32 $_size__tile_overlayer_lowered;
	s7 =	simm.s32 $_tile_overlayer_lowered  }
0x9c: {  	s22 =	simm.s32 $0x1BFF;
	s21 =	sshll.u32 s7, $0x1;
	s4 =	sadd.s32 s5, s19  }
0x9d: {  	s8 =	simm.s32 $0x0;
	s20 =	sshll.u32 s6, $0x1;
	s6 =	sadd.s32 s21, s4  }
0x9e: {  	[timem:s8], [sflag:s22] =	dma.local [hbm:s6], s20  }
0x9f: {  	_ =	swait.ge [sflag:s22], s20  }
0xa0: {  	s5 =	ssub.s32 $0x0, s20;
	[sflag:s22] =	ssyncset.done $0x0  }
0xa1: {  	[sflag:s22] =	ssyncadd.s32 s5;
	_ =	sdelay $0x1  }
0xa2: {  	s23 =	simm.s32 $0x1B8B  }
0xa3: {  	_ =	swait.ge [sflag:s23], $0x1  }
0xa4: {  	[sflag:s23] =	ssyncset.done $0x0  }
0xa5: {  	s25 =	simm.s32 $0x1B8E;
	s24 =	sld [smem:$0x3FFE];
	[sflag:s23] =	ssyncadd.s32 $0xFFFFFFFF  }
0xa6: {  	s26 =	simm.s32 $execute0_lowered;
	[smem:$0x3FD2] =	sst s25  }
0xa7: {  	s6 =	sshll.u32 s26, $0x1;
	_ =	strace $0x80000046;
	[dreg:$0x1] =	wrdreg $0xFFFFFFFF  }
0xa8: {  	s28 =	simm.s32 $_size_execute0_lowered;
	s4 =	sadd.s32 s4, s6;
	[dreg:$0x0] =	wrdreg $0x0  }
0xa9: {  	s6 =	sshll.u32 s28, $0x1;
	[dreg:$0x2] =	wrdreg s4  }
0xaa: {  	[dreg:$0x3] =	wrdreg s6  }
0xab: {  	[dreg:$0x4] =	wrdreg $0xC0  }
0xac: {  	_ =	task [dreg:s8], $0x5FFFF  }
0xad: {  	[dreg:$0x1] =	wrdreg $0xFFFFFFFF  }
0xae: {  	[dreg:$0x0] =	wrdreg $0x60  }
0xaf: {  	[dreg:$0x2] =	wrdreg s2  }
0xb0: {  	[dreg:$0x3] =	wrdreg s24  }
0xb1: {  	[dreg:$0x4] =	wrdreg s18  }
0xb2: {  	[dreg:$0x5] =	wrdreg $0xB0000  }
0xb3: {  	[dreg:$0x6] =	wrdreg $0x9  }
0xb4: {  	_ =	task.clear_ibuf [dreg:s8], $0x7FFFF;
	_ =	strace $0x90000046  }
0xb5: {  	s29 =	simm.s32 $0x9;
	_ =	strace $0x80000048  }
0xb6: {  	_ =	swait.ge [sflag:s29], $0x1  }
0xb7: {  	[sflag:s29] =	ssyncadd.s32 $0xFFFFFFFF  }
0xb8: {  	_ =	strace $0x90000048  }
0xb9: {  	_ =	sfence  }
0xba: {  	s30 =	sld [smem:$0x0];
	_ =	sdelay $0x2  }
0xbb: {  	s31 =	sshll.u32 s1, $0xD;
	s1 =	sshrl.u32 s1, $0x2  }
0xbc: {  	s3 =	sand.u32 $0x4000, s31;
	s1 =	sadd.s32 s1, s30  }
0xbd: {  	s0 =	sor.u32 s3, s0;
	s1 =	sshll.u32 s1, $0x11  }
0xbe: {  	s0 =	sor.u32 s1, s0  }
0xbf: {  	s0 =	sadd.s32 $0x8F2B, s0  }
0xc0: {  	[sflag:s0] =	ssyncadd.remote.s32 $0x1  }
0xc1: {  	_ =	sfence.sel $0xFFFF  }
0xc2: {  	[dreg:$0x0] =	wrdreg $0xFFFFFFFF;
	(pc) =	sbr.abs _section_cstart, $3  }
0xc3: {  	[dreg:$0x1] =	wrdreg $0xFFFFFFFF  }
0xc4: {  	_ =	task.clear_ibuf [dreg:s8], $0x2FFFF;
	_ =	strace $0x9FFFFFFF  }
0xc5: {  	(tm) =	ssettm $0x7FFFFFFF  }
tec
execute0_lowered:
.L_overlay_start_1:
0x0: {  	(tag) =	ssettag $0x1  }
0x1: {  	s6 =	rddreg [dreg:$0x0]  }
0x2: {  	s7 =	rddreg [dreg:$0x1]  }
0x3: {  	s1 =	srdreg.scid;
	s2 =	rddreg [dreg:$0x2]  }
0x4: {  	s0 =	stileid.u32;
	s3 =	rddreg [dreg:$0x3];
	s4 =	simm.s32 $0x0  }
0x5: {  	s13 =	simm.s32 $0x80;
	s14 =	simm.s32 $0x2800;
	s15 =	simm.s32 $0x6800  }
0x6: {  	s16 =	simm.s32 $0x2;
	s17 =	simm.s32 $0x3;
	s18 =	simm.s32 $0x4  }
0x7: {  	s19 =	simm.s32 $0x0;
	s8 =	sand.u32 $0x1, s1;
	s28 =	sshll.u32 s0, $0x1  }
0x8: {  	s1 =	rddreg [dreg:$0x4];
	s9 =	smul.u32 $0x280, s0;
	s5 =	sor.u32 s8, s28  }
0x9: {  	[smem:$0x7FF] =	sst s4;
	s31 =	sshll.u32 s0, $0x6;
	s5 =	smul.u32 $0x140, s5  }
0xa: {  	s8 =	ssub.s32 $0x2, s8;
	_ =	strace $0x80000047;
	s29 =	smin.u32 s9, $0x2490  }
0xb: {  	s11 =	sshrl.u32 s8, $0x1;
	s30 =	sshll.u32 s29, $0x7;
	s5 =	smin.u32 s5, $0x25D0  }
0xc: {  	s11 =	ssub.s32 s8, s11;
	s12 =	sadd.s32 s30, s3;
	s10 =	sshll.u32 s5, $0x2  }
0xd: {  	s9 =	smax.u32 s11, $0x1;
	s10 =	sadd.s32 s10, s7;
	s7 =	sshll.u32 s29, $0x4  }
0xe: {  	s11 =	simm.s32 $0x5;
	s6 =	sadd.s32 s6, s7;
	s7 =	sor.u32 $0x1C01, s31  }
0xf: {  	s8 =	sadd.s32 $0x1200, s10;
	s10 =	sshrl.u32 s12, $0x3;
	s12 =	simm.s32 $0x1  }
.LBB2_1:
0x10: {  	[spmem:s10], [sflag:s7] =	dma.local [hbm:s6], $0x2800  }
0x11: {  	[tilespmem:s4], [sflag:$0x5] =	stream.linear.gather [hbm4b:s8+s4], $0x2800, $0x38;
	[tilespmem:$0x1E880] =	vst v63  }
0x12: {  	_ =	swait.ge [sflag:s11], $0x2800  }
0x13: {  	[sflag:s11] =	ssyncset.done $0x0  }
0x14: {  	[sflag:s11] =	ssyncadd.s32 $0xFFFFD800  }
0x15: {  	_ =	swait.ge [sflag:s12], $0x2800  }
0x16: {  	[sflag:s12] =	ssyncset.done $0x0  }
0x17: {  	[sflag:s12] =	ssyncadd.s32 $0xFFFFD800  }
0x18: {  	s20 =	simm.s32 $0x0;
	[bflag:$0x0] =	sbarrier.arrive $0xFFFF  }
0x19: {  	[tilespmem:s14], [sflag:$0x1] =	stream.indirect.gather [spmem:s3], $0x80, s4, s13, $0xb8;
	[tilespmem:$0x1E880] =	vst v63  }
.LBB2_2:
0x1a: {  	s22 =	sshll.u32 s20, $0xA  }
0x1b: {  	s21 =	sshrl.u32 s22, $0x2  }
0x1c: {  	p0 =	slt.u32 s20, $0x2;
	s23 =	sor.u32 $0x80, s21  }
0x1d: {  	[tilespmem:s15], [sflag:$0x2] =	stream.indirect.gather [spmem:s3], $0x80, s23, s13, $0xb8;
	[tilespmem:$0x1E880] =	vst v63  }
0x1e: {  	s23 =	sand.u32 @!p0 $0x1, s20  }
0x1f: {  	_ =	swait.ge [sflag:s12], $0x4000;
	p1 =	seq.s32 @!p0 s23, $0x1  }
0x20: {  	s23 =	simm.s32 @!p0 $0x4;
	[sflag:s12] =	ssyncset.done $0x0;
	p1 =	por !p1, p0  }
0x21: {  	[sflag:s12] =	ssyncadd.s32 $0xFFFFC000;
	s23 =	simm.s32 @p1 $0x3  }
0x22: {  	s22 =	sand.u32 $0x400, s22;
	_ =	swait.ge @!p0 [sflag:s23], $0x400  }
0x23: {  	s24 =	sor.u32 $0xA800, s22;
	[sflag:s23] =	ssyncset.done @!p0 $0x0  }
0x24: {  	s22 =	simm.s32 $0x0;
	v0 =	vmov s24;
	[sflag:s23] =	ssyncadd.s32 @!p0 $0xFFFFFC00;
	s23 =	simm.s32 $0x2A00  }
.LBB2_3:
0x25: {  	v3 =	vmov s23;
	_ =	sdelay $0x3  }
0x26: {  	s24 =	simm.s32 $0x0  }
0x27: {  	v8 =	vld.idx.msk [tilespmem:v3+s24+$0x180 ss:$0x1], $0xffff  }
0x28: {  	v9 =	vld.idx.msk [tilespmem:v3+s24+$0x190 ss:$0x1], $0xffff  }
0x29: {  	v10 =	vld.idx.msk [tilespmem:v3+s24+$0x1A0 ss:$0x1], $0xffff  }
0x2a: {  	v11 =	vld.idx.msk [tilespmem:v3+s24+$0x1B0 ss:$0x1], $0xffff  }
0x2b: {  	v2 =	vld.idx.msk [tilespmem:v3+s24+$0x1C0 ss:$0x1], $0xffff  }
0x2c: {  	v1 =	vld.idx.msk [tilespmem:v3+s24+$0x1D0 ss:$0x1], $0xffff  }
0x2d: {  	v16 =	vld.idx.msk [tilespmem:v3+s24+$0x100 ss:$0x1], $0xffff  }
0x2e: {  	v18 =	vld.idx.msk [tilespmem:v3+s24+$0x110 ss:$0x1], $0xffff  }
0x2f: {  	v15 =	vld.idx.msk [tilespmem:v3+s24+$0x120 ss:$0x1], $0xffff  }
0x30: {  	v17 =	vld.idx.msk [tilespmem:v3+s24+$0x130 ss:$0x1], $0xffff  }
0x31: {  	v5 =	vld.idx.msk [tilespmem:v3+s24+$0x140 ss:$0x1], $0xffff  }
0x32: {  	v4 =	vld.idx.msk [tilespmem:v3+s24+$0x150 ss:$0x1], $0xffff  }
0x33: {  	v19 =	vld.idx.msk [tilespmem:v3+s24+$0x80 ss:$0x1], $0xffff  }
0x34: {  	v21 =	vld.idx.msk [tilespmem:v3+s24+$0x90 ss:$0x1], $0xffff  }
0x35: {  	v20 =	vld.idx.msk [tilespmem:v3+s24+$0xA0 ss:$0x1], $0xffff  }
0x36: {  	v22 =	vld.idx.msk [tilespmem:v3+s24+$0xB0 ss:$0x1], $0xffff  }
0x37: {  	v7 =	vld.idx.msk [tilespmem:v3+s24+$0xC0 ss:$0x1], $0xffff  }
0x38: {  	v6 =	vld.idx.msk [tilespmem:v3+s24+$0xD0 ss:$0x1], $0xffff  }
0x39: {  	v23 =	vld.idx.msk [tilespmem:v3+s24+$0x0 ss:$0x1], $0xffff  }
0x3a: {  	v26 =	vld.idx.msk [tilespmem:v3+s24+$0x10 ss:$0x1], $0xffff  }
0x3b: {  	v27 =	vld.idx.msk [tilespmem:v3+s24+$0x20 ss:$0x1], $0xffff  }
0x3c: {  	v28 =	vld.idx.msk [tilespmem:v3+s24+$0x30 ss:$0x1], $0xffff  }
0x3d: {  	v13 =	vld.idx.msk [tilespmem:v3+s24+$0x40 ss:$0x1], $0xffff  }
0x3e: {  	v12 =	vld.idx.msk [tilespmem:v3+s24+$0x50 ss:$0x1], $0xffff  }
0x3f: {  	v29 =	vld.idx.msk [tilespmem:v3+s24+$0xFFFFFF80 ss:$0x1], $0xffff  }
0x40: {  	v32 =	vld.idx.msk [tilespmem:v3+s24+$0xFFFFFF90 ss:$0x1], $0xffff  }
0x41: {  	v30 =	vld.idx.msk [tilespmem:v3+s24+$0xFFFFFF00 ss:$0x1], $0xffff  }
0x42: {  	v31 =	vld.idx.msk [tilespmem:v3+s24+$0xFFFFFF10 ss:$0x1], $0xffff  }
0x43: {  	v24 =	vld.idx.msk [tilespmem:v3+s24+$0xFFFFFE80 ss:$0x1], $0xffff  }
0x44: {  	v25 =	vld.idx.msk [tilespmem:v3+s24+$0xFFFFFE90 ss:$0x1], $0xffff  }
0x45: {  	v33 =	vld.idx.msk [tilespmem:v3+s24+$0xFFFFFE00 ss:$0x1], $0xffff  }
0x46: {  	v34 =	vld.idx.msk [tilespmem:v3+s24+$0xFFFFFE10 ss:$0x1], $0xffff  }
0x47: {  	v35 =	vld.idx.msk [tilespmem:v3+s24+$0xFFFFFE20 ss:$0x1], $0xffff  }
0x48: {  	v36 =	vld.idx.msk [tilespmem:v3+s24+$0xFFFFFE30 ss:$0x1], $0xffff  }
0x49: {  	v37 =	vld.idx.msk [tilespmem:v3+s24+$0xFFFFFEA0 ss:$0x1], $0xffff  }
0x4a: {  	v38 =	vld.idx.msk [tilespmem:v3+s24+$0xFFFFFEB0 ss:$0x1], $0xffff  }
0x4b: {  	v14 =	vimm.f32 $0.0e+00;
	v39 =	vld.idx.msk [tilespmem:v3+s24+$0xFFFFFF20 ss:$0x1], $0xffff  }
0x4c: {  	v40 =	vld.idx.msk [tilespmem:v3+s24+$0xFFFFFF30 ss:$0x1], $0xffff;
	v33 =	vadd.f32 v33, v14;
	v34 =	vadd.f32 v34, v14  }
0x4d: {  	v41 =	vld.idx.msk [tilespmem:v3+s24+$0xFFFFFFA0 ss:$0x1], $0xffff;
	v35 =	vadd.f32 v35, v14;
	v36 =	vadd.f32 v36, v14  }
0x4e: {  	v42 =	vld.idx.msk [tilespmem:v3+s24+$0xFFFFFFB0 ss:$0x1], $0xffff;
	v33 =	vadd.f32 v24, v33;
	v34 =	vadd.f32 v25, v34  }
0x4f: {  	v24 =	vld.idx.msk [tilespmem:v3+s24+$0xFFFFFFC0 ss:$0x1], $0xffff;
	v35 =	vadd.f32 v37, v35;
	v36 =	vadd.f32 v38, v36  }
0x50: {  	v25 =	vld.idx.msk [tilespmem:v3+s24+$0xFFFFFFD0 ss:$0x1], $0xffff;
	v33 =	vadd.f32 v30, v33;
	v34 =	vadd.f32 v31, v34  }
0x51: {  	v30 =	vld.idx.msk [tilespmem:v3+s24+$0xFFFFFF40 ss:$0x1], $0xffff;
	v35 =	vadd.f32 v39, v35;
	v36 =	vadd.f32 v40, v36  }
0x52: {  	v31 =	vld.idx.msk [tilespmem:v3+s24+$0xFFFFFF50 ss:$0x1], $0xffff;
	v29 =	vadd.f32 v29, v33;
	v34 =	vadd.f32 v32, v34  }
0x53: {  	v32 =	vld.idx.msk [tilespmem:v3+s24+$0xFFFFFEC0 ss:$0x1], $0xffff;
	v35 =	vadd.f32 v41, v35;
	v36 =	vadd.f32 v42, v36  }
0x54: {  	v33 =	vld.idx.msk [tilespmem:v3+s24+$0xFFFFFED0 ss:$0x1], $0xffff;
	v23 =	vadd.f32 v23, v29;
	v29 =	vadd.f32 v26, v34  }
0x55: {  	v34 =	vld.idx.msk [tilespmem:v3+s24+$0xFFFFFE40 ss:$0x1], $0xffff;
	v26 =	vadd.f32 v27, v35;
	v27 =	vadd.f32 v28, v36  }
0x56: {  	v35 =	vld.idx.msk [tilespmem:v3+s24+$0xFFFFFE50 ss:$0x1], $0xffff;
	v28 =	vadd.f32 v19, v23;
	v29 =	vadd.f32 v21, v29  }
0x57: {  	s25 =	simm.s32 $0x1000;
	v36 =	vld.idx.msk [tilespmem:v3+s24+$0xFFFFFE60 ss:$0x1], $0xffff;
	v23 =	vimm.f32 $0.0e+00;
	v21 =	vimm.f32 $0.0e+00;
	v19 =	vimm.f32 $0.0e+00  }
.LBB2_4:
0x58: {  	p0 =	sne.s32 s25, $0x3000;
	v37 =	vld.idx.msk [tilespmem:v3+s24+$0xFFFFFE70 ss:$0x1], $0xffff;
	v20 =	vadd.f32 v20, v26;
	v22 =	vadd.f32 v22, v27  }
0x59: {  	v38 =	vld.idx.msk [tilespmem:v3+s24+$0xFFFFFEE0 ss:$0x1], $0xffff;
	v16 =	vadd.f32 v16, v28;
	v18 =	vadd.f32 v18, v29  }
0x5a: {  	v39 =	vld.idx.msk [tilespmem:v3+s24+$0xFFFFFEF0 ss:$0x1], $0xffff;
	v15 =	vadd.f32 v15, v20;
	v17 =	vadd.f32 v17, v22  }
0x5b: {  	v20 =	vld.idx.msk [tilespmem:v3+s24+$0xFFFFFF60 ss:$0x1], $0xffff;
	v26 =	vadd.f32 v8, v16;
	v27 =	vadd.f32 v9, v18  }
0x5c: {  	v8 =	vld.idx.msk [tilespmem:v3+s24+$0xFFFFFF70 ss:$0x1], $0xffff;
	v28 =	vadd.f32 v10, v15;
	v29 =	vadd.f32 v11, v17  }
0x5d: {  	v9 =	vadd.f32 v34, v14;
	v10 =	vadd.f32 v35, v23;
	v11 =	vld.idx.msk [tilespmem:v3+s24+$0xFFFFFFE0 ss:$0x1], $0xffff  }
0x5e: {  	v14 =	vadd.f32 v36, v21;
	v15 =	vadd.f32 v37, v19;
	v16 =	vld.idx.msk [tilespmem:v3+s24+$0xFFFFFFF0 ss:$0x1], $0xffff  }
0x5f: {  	v9 =	vadd.f32 v32, v9;
	v10 =	vadd.f32 v33, v10;
	v17 =	vld.idx.msk [tilespmem:v3+s24+$0x60 ss:$0x1], $0xffff  }
0x60: {  	v14 =	vadd.f32 v38, v14;
	v15 =	vadd.f32 v39, v15;
	v18 =	vld.idx.msk [tilespmem:v3+s24+$0x70 ss:$0x1], $0xffff  }
0x61: {  	v9 =	vadd.f32 v30, v9;
	v10 =	vadd.f32 v31, v10;
	v19 =	vld.idx.msk [tilespmem:v3+s24+$0xE0 ss:$0x1], $0xffff  }
0x62: {  	v14 =	vadd.f32 v20, v14;
	v8 =	vadd.f32 v8, v15;
	v15 =	vld.idx.msk [tilespmem:v3+s24+$0xF0 ss:$0x1], $0xffff  }
0x63: {  	v9 =	vadd.f32 v24, v9;
	v10 =	vadd.f32 v25, v10;
	v20 =	vld.idx.msk [tilespmem:v3+s24+$0x160 ss:$0x1], $0xffff  }
0x64: {  	v11 =	vadd.f32 v11, v14;
	v8 =	vadd.f32 v16, v8;
	v14 =	vld.idx.msk [tilespmem:v3+s24+$0x170 ss:$0x1], $0xffff  }
0x65: {  	v9 =	vadd.f32 v13, v9;
	v10 =	vadd.f32 v12, v10;
	v12 =	vld.idx.msk [tilespmem:v3+s24+$0x1E0 ss:$0x1], $0xffff  }
0x66: {  	v11 =	vadd.f32 v17, v11;
	v13 =	vadd.f32 v18, v8;
	v16 =	vld.idx.msk [tilespmem:v3+s24+$0x1F0 ss:$0x1], $0xffff;
	s24 =	sshra.s32 s25, $0x2  }
0x67: {  	v7 =	vadd.f32 v7, v9;
	v6 =	vadd.f32 v6, v10;
	v8 =	vld.idx.msk [tilespmem:v3+s24+$0x180 ss:$0x1], $0xffff  }
0x68: {  	v17 =	vadd.f32 v19, v11;
	v13 =	vadd.f32 v15, v13;
	v9 =	vld.idx.msk [tilespmem:v3+s24+$0x190 ss:$0x1], $0xffff  }
0x69: {  	v5 =	vadd.f32 v5, v7;
	v4 =	vadd.f32 v4, v6;
	v10 =	vld.idx.msk [tilespmem:v3+s24+$0x1A0 ss:$0x1], $0xffff  }
0x6a: {  	v6 =	vadd.f32 v20, v17;
	v7 =	vadd.f32 v14, v13;
	v11 =	vld.idx.msk [tilespmem:v3+s24+$0x1B0 ss:$0x1], $0xffff  }
0x6b: {  	v14 =	vadd.f32 v2, v5;
	v23 =	vadd.f32 v1, v4;
	v2 =	vld.idx.msk [tilespmem:v3+s24+$0x1C0 ss:$0x1], $0xffff  }
0x6c: {  	v21 =	vadd.f32 v12, v6;
	v19 =	vadd.f32 v16, v7;
	v1 =	vld.idx.msk [tilespmem:v3+s24+$0x1D0 ss:$0x1], $0xffff  }
0x6d: {  	v16 =	vld.idx.msk [tilespmem:v3+s24+$0x100 ss:$0x1], $0xffff  }
0x6e: {  	v18 =	vld.idx.msk [tilespmem:v3+s24+$0x110 ss:$0x1], $0xffff  }
0x6f: {  	v15 =	vld.idx.msk [tilespmem:v3+s24+$0x120 ss:$0x1], $0xffff  }
0x70: {  	v17 =	vld.idx.msk [tilespmem:v3+s24+$0x130 ss:$0x1], $0xffff  }
0x71: {  	v5 =	vld.idx.msk [tilespmem:v3+s24+$0x140 ss:$0x1], $0xffff  }
0x72: {  	v4 =	vld.idx.msk [tilespmem:v3+s24+$0x150 ss:$0x1], $0xffff  }
0x73: {  	v37 =	vld.idx.msk [tilespmem:v3+s24+$0x80 ss:$0x1], $0xffff  }
0x74: {  	v38 =	vld.idx.msk [tilespmem:v3+s24+$0x90 ss:$0x1], $0xffff  }
0x75: {  	v20 =	vld.idx.msk [tilespmem:v3+s24+$0xA0 ss:$0x1], $0xffff  }
0x76: {  	v22 =	vld.idx.msk [tilespmem:v3+s24+$0xB0 ss:$0x1], $0xffff  }
0x77: {  	v7 =	vld.idx.msk [tilespmem:v3+s24+$0xC0 ss:$0x1], $0xffff  }
0x78: {  	v6 =	vld.idx.msk [tilespmem:v3+s24+$0xD0 ss:$0x1], $0xffff  }
0x79: {  	v35 =	vld.idx.msk [tilespmem:v3+s24+$0x0 ss:$0x1], $0xffff  }
0x7a: {  	v36 =	vld.idx.msk [tilespmem:v3+s24+$0x10 ss:$0x1], $0xffff  }
0x7b: {  	v39 =	vld.idx.msk [tilespmem:v3+s24+$0x20 ss:$0x1], $0xffff  }
0x7c: {  	v40 =	vld.idx.msk [tilespmem:v3+s24+$0x30 ss:$0x1], $0xffff  }
0x7d: {  	v13 =	vld.idx.msk [tilespmem:v3+s24+$0x40 ss:$0x1], $0xffff  }
0x7e: {  	v12 =	vld.idx.msk [tilespmem:v3+s24+$0x50 ss:$0x1], $0xffff  }
0x7f: {  	v33 =	vld.idx.msk [tilespmem:v3+s24+$0xFFFFFF80 ss:$0x1], $0xffff  }
0x80: {  	v34 =	vld.idx.msk [tilespmem:v3+s24+$0xFFFFFF90 ss:$0x1], $0xffff  }
0x81: {  	v30 =	vld.idx.msk [tilespmem:v3+s24+$0xFFFFFF00 ss:$0x1], $0xffff  }
0x82: {  	v31 =	vld.idx.msk [tilespmem:v3+s24+$0xFFFFFF10 ss:$0x1], $0xffff  }
0x83: {  	v24 =	vld.idx.msk [tilespmem:v3+s24+$0xFFFFFE80 ss:$0x1], $0xffff  }
0x84: {  	v25 =	vld.idx.msk [tilespmem:v3+s24+$0xFFFFFE90 ss:$0x1], $0xffff  }
0x85: {  	v32 =	vld.idx.msk [tilespmem:v3+s24+$0xFFFFFE00 ss:$0x1], $0xffff  }
0x86: {  	v41 =	vld.idx.msk [tilespmem:v3+s24+$0xFFFFFE10 ss:$0x1], $0xffff  }
0x87: {  	v42 =	vld.idx.msk [tilespmem:v3+s24+$0xFFFFFE20 ss:$0x1], $0xffff  }
0x88: {  	v43 =	vld.idx.msk [tilespmem:v3+s24+$0xFFFFFE30 ss:$0x1], $0xffff  }
0x89: {  	v44 =	vld.idx.msk [tilespmem:v3+s24+$0xFFFFFEA0 ss:$0x1], $0xffff  }
0x8a: {  	v45 =	vld.idx.msk [tilespmem:v3+s24+$0xFFFFFEB0 ss:$0x1], $0xffff  }
0x8b: {  	v46 =	vld.idx.msk [tilespmem:v3+s24+$0xFFFFFF20 ss:$0x1], $0xffff  }
0x8c: {  	v47 =	vld.idx.msk [tilespmem:v3+s24+$0xFFFFFF30 ss:$0x1], $0xffff  }
0x8d: {  	v26 =	vadd.f32 v32, v26;
	v27 =	vadd.f32 v41, v27;
	v41 =	vld.idx.msk [tilespmem:v3+s24+$0xFFFFFFA0 ss:$0x1], $0xffff  }
0x8e: {  	v28 =	vadd.f32 v42, v28;
	v29 =	vadd.f32 v43, v29;
	v42 =	vld.idx.msk [tilespmem:v3+s24+$0xFFFFFFB0 ss:$0x1], $0xffff  }
0x8f: {  	v26 =	vadd.f32 v24, v26;
	v27 =	vadd.f32 v25, v27;
	v24 =	vld.idx.msk [tilespmem:v3+s24+$0xFFFFFFC0 ss:$0x1], $0xffff  }
0x90: {  	v28 =	vadd.f32 v44, v28;
	v29 =	vadd.f32 v45, v29;
	v25 =	vld.idx.msk [tilespmem:v3+s24+$0xFFFFFFD0 ss:$0x1], $0xffff  }
0x91: {  	v26 =	vadd.f32 v30, v26;
	v27 =	vadd.f32 v31, v27;
	v30 =	vld.idx.msk [tilespmem:v3+s24+$0xFFFFFF40 ss:$0x1], $0xffff  }
0x92: {  	v28 =	vadd.f32 v46, v28;
	v29 =	vadd.f32 v47, v29;
	v31 =	vld.idx.msk [tilespmem:v3+s24+$0xFFFFFF50 ss:$0x1], $0xffff  }
.Ltmp0:
0x93: {  	v26 =	vadd.f32 v33, v26;
	v27 =	vadd.f32 v34, v27;
	v32 =	vld.idx.msk [tilespmem:v3+s24+$0xFFFFFEC0 ss:$0x1], $0xffff;
	(pc) =	sbr.rel @p0 .LBB2_4-.Ltmp0, $4  }
0x94: {  	v28 =	vadd.f32 v41, v28;
	v29 =	vadd.f32 v42, v29;
	v33 =	vld.idx.msk [tilespmem:v3+s24+$0xFFFFFED0 ss:$0x1], $0xffff  }
0x95: {  	v41 =	vadd.f32 v35, v26;
	v42 =	vadd.f32 v36, v27;
	v34 =	vld.idx.msk [tilespmem:v3+s24+$0xFFFFFE40 ss:$0x1], $0xffff  }
0x96: {  	v26 =	vadd.f32 v39, v28;
	v27 =	vadd.f32 v40, v29;
	v35 =	vld.idx.msk [tilespmem:v3+s24+$0xFFFFFE50 ss:$0x1], $0xffff  }
0x97: {  	s25 =	sadd.s32 $0x1000, s25;
	v28 =	vadd.f32 v37, v41;
	v29 =	vadd.f32 v38, v42;
	v36 =	vld.idx.msk [tilespmem:v3+s24+$0xFFFFFE60 ss:$0x1], $0xffff  }
0x98: {  	_ =	sdelay $0x1  }
0x99: {  	v20 =	vadd.f32 v20, v26;
	v22 =	vadd.f32 v22, v27  }
0x9a: {  	v16 =	vadd.f32 v16, v28;
	v18 =	vadd.f32 v18, v29  }
0x9b: {  	v42 =	vld.idx.msk [tilespmem:v3+s24+$0xFFFFFE70 ss:$0x1], $0xffff;
	v15 =	vadd.f32 v15, v20;
	v17 =	vadd.f32 v17, v22  }
0x9c: {  	v43 =	vld.idx.msk [tilespmem:v3+s24+$0xFFFFFEE0 ss:$0x1], $0xffff;
	v14 =	vadd.f32 v34, v14;
	v8 =	vadd.f32 v8, v16  }
0x9d: {  	v44 =	vld.idx.msk [tilespmem:v3+s24+$0xFFFFFEF0 ss:$0x1], $0xffff;
	v9 =	vadd.f32 v9, v18;
	v47 =	vadd.f32 v35, v23  }
0x9e: {  	v45 =	vld.idx.msk [tilespmem:v3+s24+$0xFFFFFF60 ss:$0x1], $0xffff;
	v10 =	vadd.f32 v10, v15;
	v11 =	vadd.f32 v11, v17  }
0x9f: {  	v46 =	vld.idx.msk [tilespmem:v3+s24+$0xFFFFFF70 ss:$0x1], $0xffff;
	v21 =	vadd.f32 v36, v21;
	v14 =	vadd.f32 v32, v14  }
0xa0: {  	v48 =	vld.idx.msk [tilespmem:v3+s24+$0xFFFFFFE0 ss:$0x1], $0xffff;
	v19 =	vadd.f32 v42, v19;
	v17 =	vadd.f32 v33, v47  }
0xa1: {  	v49 =	vld.idx.msk [tilespmem:v3+s24+$0xFFFFFFF0 ss:$0x1], $0xffff;
	v21 =	vadd.f32 v43, v21;
	v14 =	vadd.f32 v30, v14  }
0xa2: {  	v50 =	vld.idx.msk [tilespmem:v3+s24+$0x60 ss:$0x1], $0xffff;
	v19 =	vadd.f32 v44, v19;
	v17 =	vadd.f32 v31, v17  }
0xa3: {  	v51 =	vld.idx.msk [tilespmem:v3+s24+$0x70 ss:$0x1], $0xffff;
	v16 =	vadd.f32 v45, v21;
	v14 =	vadd.f32 v24, v14  }
0xa4: {  	v52 =	vld.idx.msk [tilespmem:v3+s24+$0xE0 ss:$0x1], $0xffff;
	v15 =	vadd.f32 v46, v19;
	v17 =	vadd.f32 v25, v17  }
0xa5: {  	v53 =	vld.idx.msk [tilespmem:v3+s24+$0xF0 ss:$0x1], $0xffff;
	v16 =	vadd.f32 v48, v16;
	v13 =	vadd.f32 v13, v14  }
0xa6: {  	v54 =	vld.idx.msk [tilespmem:v3+s24+$0x160 ss:$0x1], $0xffff;
	v55 =	vadd.f32 v49, v15;
	v12 =	vadd.f32 v12, v17  }
0xa7: {  	v56 =	vld.idx.msk [tilespmem:v3+s24+$0x170 ss:$0x1], $0xffff;
	s25 =	sshll.u32 s22, $0x7;
	v16 =	vadd.f32 v50, v16;
	v7 =	vadd.f32 v7, v13  }
0xa8: {  	v57 =	vld.idx.msk [tilespmem:v3+s24+$0x1E0 ss:$0x1], $0xffff;
	s31 =	sand.u32 $0x3FFFFF80, s25;
	v58 =	vadd.f32 v51, v55;
	v6 =	vadd.f32 v6, v12  }
0xa9: {  	v3 =	vld.idx.msk [tilespmem:v3+s24+$0x1F0 ss:$0x1], $0xffff;
	[tilespmem:v0+s31+$0x0 ss:$0x1] =	vst.idx.msk $0xffff, v8;
	v59 =	vadd.f32 v52, v16;
	v5 =	vadd.f32 v5, v7  }
0xaa: {  	s22 =	sadd.s32 $0x1, s22;
	[tilespmem:v0+s31+$0x10 ss:$0x1] =	vst.idx.msk $0xffff, v9;
	v60 =	vadd.f32 v53, v58;
	v4 =	vadd.f32 v4, v6  }
0xab: {  	p0 =	sne.s32 s22, $0x4;
	[tilespmem:v0+s31+$0x20 ss:$0x1] =	vst.idx.msk $0xffff, v10;
	v61 =	vadd.f32 v54, v59;
	v2 =	vadd.f32 v2, v5  }
.Ltmp1:
0xac: {  	[tilespmem:v0+s31+$0x30 ss:$0x1] =	vst.idx.msk $0xffff, v11;
	v62 =	vadd.f32 v56, v60;
	v1 =	vadd.f32 v1, v4;
	(pc) =	sbr.rel @p0 .LBB2_3-.Ltmp1, $4  }
0xad: {  	v63 =	vadd.f32 v57, v61;
	[tilespmem:v0+s31+$0x40 ss:$0x1] =	vst.idx.msk $0xffff, v2  }
0xae: {  	v2 =	vadd.f32 v3, v62;
	[tilespmem:v0+s31+$0x50 ss:$0x1] =	vst.idx.msk $0xffff, v1  }
0xaf: {  	[tilespmem:v0+s31+$0x60 ss:$0x1] =	vst.idx.msk $0xffff, v63  }
0xb0: {  	s23 =	sadd.s32 $0x1000, s23;
	[tilespmem:v0+s31+$0x70 ss:$0x1] =	vst.idx.msk $0xffff, v2  }
0xb1: {  	p0 =	seq.s32 s20, $0x27  }
0xb2: {  	s21 =	sadd.s32 @!p0 $0x100, s21;
	s22 =	simm.s32 @!p0 $0x80;
	s23 =	simm.s32 @!p0 $0x2800  }
0xb3: {  	[tilespmem:s23], [sflag:$0x1] =	stream.indirect.gather @!p0 [spmem:s3], $0x80, s21, s22, $0xb8;
	[tilespmem:$0x1E880] =	vst v63  }
0xb4: {  	_ =	swait.ge [sflag:s16], $0x4000  }
0xb5: {  	s24 =	simm.s32 $0x6A00;
	s21 =	sshll.u32 s20, $0x3;
	[sflag:s16] =	ssyncset.done $0x0  }
0xb6: {  	s23 =	simm.s32 $0x0;
	s22 =	sand.u32 $0x8, s21;
	[sflag:s16] =	ssyncadd.s32 $0xFFFFC000  }
.LBB2_7:
0xb7: {  	v2 =	vmov s24;
	_ =	sdelay $0x3  }
0xb8: {  	s25 =	simm.s32 $0x0  }
0xb9: {  	v7 =	vld.idx.msk [tilespmem:v2+s25+$0x180 ss:$0x1], $0xffff  }
0xba: {  	v8 =	vld.idx.msk [tilespmem:v2+s25+$0x190 ss:$0x1], $0xffff  }
0xbb: {  	v9 =	vld.idx.msk [tilespmem:v2+s25+$0x1A0 ss:$0x1], $0xffff  }
0xbc: {  	v10 =	vld.idx.msk [tilespmem:v2+s25+$0x1B0 ss:$0x1], $0xffff  }
0xbd: {  	v1 =	vld.idx.msk [tilespmem:v2+s25+$0x1C0 ss:$0x1], $0xffff  }
0xbe: {  	v0 =	vld.idx.msk [tilespmem:v2+s25+$0x1D0 ss:$0x1], $0xffff  }
0xbf: {  	v15 =	vld.idx.msk [tilespmem:v2+s25+$0x100 ss:$0x1], $0xffff  }
0xc0: {  	v17 =	vld.idx.msk [tilespmem:v2+s25+$0x110 ss:$0x1], $0xffff  }
0xc1: {  	v14 =	vld.idx.msk [tilespmem:v2+s25+$0x120 ss:$0x1], $0xffff  }
0xc2: {  	v16 =	vld.idx.msk [tilespmem:v2+s25+$0x130 ss:$0x1], $0xffff  }
0xc3: {  	v4 =	vld.idx.msk [tilespmem:v2+s25+$0x140 ss:$0x1], $0xffff  }
0xc4: {  	v3 =	vld.idx.msk [tilespmem:v2+s25+$0x150 ss:$0x1], $0xffff  }
0xc5: {  	v18 =	vld.idx.msk [tilespmem:v2+s25+$0x80 ss:$0x1], $0xffff  }
0xc6: {  	v20 =	vld.idx.msk [tilespmem:v2+s25+$0x90 ss:$0x1], $0xffff  }
0xc7: {  	v19 =	vld.idx.msk [tilespmem:v2+s25+$0xA0 ss:$0x1], $0xffff  }
0xc8: {  	v21 =	vld.idx.msk [tilespmem:v2+s25+$0xB0 ss:$0x1], $0xffff  }
0xc9: {  	v6 =	vld.idx.msk [tilespmem:v2+s25+$0xC0 ss:$0x1], $0xffff  }
0xca: {  	v5 =	vld.idx.msk [tilespmem:v2+s25+$0xD0 ss:$0x1], $0xffff  }
0xcb: {  	v22 =	vld.idx.msk [tilespmem:v2+s25+$0x0 ss:$0x1], $0xffff  }
0xcc: {  	v25 =	vld.idx.msk [tilespmem:v2+s25+$0x10 ss:$0x1], $0xffff  }
0xcd: {  	v26 =	vld.idx.msk [tilespmem:v2+s25+$0x20 ss:$0x1], $0xffff  }
0xce: {  	v27 =	vld.idx.msk [tilespmem:v2+s25+$0x30 ss:$0x1], $0xffff  }
0xcf: {  	v12 =	vld.idx.msk [tilespmem:v2+s25+$0x40 ss:$0x1], $0xffff  }
0xd0: {  	v11 =	vld.idx.msk [tilespmem:v2+s25+$0x50 ss:$0x1], $0xffff  }
0xd1: {  	v28 =	vld.idx.msk [tilespmem:v2+s25+$0xFFFFFF80 ss:$0x1], $0xffff  }
0xd2: {  	v31 =	vld.idx.msk [tilespmem:v2+s25+$0xFFFFFF90 ss:$0x1], $0xffff  }
0xd3: {  	v29 =	vld.idx.msk [tilespmem:v2+s25+$0xFFFFFF00 ss:$0x1], $0xffff  }
0xd4: {  	v30 =	vld.idx.msk [tilespmem:v2+s25+$0xFFFFFF10 ss:$0x1], $0xffff  }
0xd5: {  	v23 =	vld.idx.msk [tilespmem:v2+s25+$0xFFFFFE80 ss:$0x1], $0xffff  }
0xd6: {  	v24 =	vld.idx.msk [tilespmem:v2+s25+$0xFFFFFE90 ss:$0x1], $0xffff  }
0xd7: {  	v32 =	vld.idx.msk [tilespmem:v2+s25+$0xFFFFFE00 ss:$0x1], $0xffff  }
0xd8: {  	v33 =	vld.idx.msk [tilespmem:v2+s25+$0xFFFFFE10 ss:$0x1], $0xffff  }
0xd9: {  	v34 =	vld.idx.msk [tilespmem:v2+s25+$0xFFFFFE20 ss:$0x1], $0xffff  }
0xda: {  	v35 =	vld.idx.msk [tilespmem:v2+s25+$0xFFFFFE30 ss:$0x1], $0xffff  }
0xdb: {  	v36 =	vld.idx.msk [tilespmem:v2+s25+$0xFFFFFEA0 ss:$0x1], $0xffff  }
0xdc: {  	v37 =	vld.idx.msk [tilespmem:v2+s25+$0xFFFFFEB0 ss:$0x1], $0xffff  }
0xdd: {  	v13 =	vimm.f32 $0.0e+00;
	v38 =	vld.idx.msk [tilespmem:v2+s25+$0xFFFFFF20 ss:$0x1], $0xffff  }
0xde: {  	v39 =	vld.idx.msk [tilespmem:v2+s25+$0xFFFFFF30 ss:$0x1], $0xffff;
	v32 =	vadd.f32 v32, v13;
	v33 =	vadd.f32 v33, v13  }
0xdf: {  	v40 =	vld.idx.msk [tilespmem:v2+s25+$0xFFFFFFA0 ss:$0x1], $0xffff;
	v34 =	vadd.f32 v34, v13;
	v35 =	vadd.f32 v35, v13  }
0xe0: {  	v41 =	vld.idx.msk [tilespmem:v2+s25+$0xFFFFFFB0 ss:$0x1], $0xffff;
	v32 =	vadd.f32 v23, v32;
	v33 =	vadd.f32 v24, v33  }
0xe1: {  	v23 =	vld.idx.msk [tilespmem:v2+s25+$0xFFFFFFC0 ss:$0x1], $0xffff;
	v34 =	vadd.f32 v36, v34;
	v35 =	vadd.f32 v37, v35  }
0xe2: {  	v24 =	vld.idx.msk [tilespmem:v2+s25+$0xFFFFFFD0 ss:$0x1], $0xffff;
	v32 =	vadd.f32 v29, v32;
	v33 =	vadd.f32 v30, v33  }
0xe3: {  	v29 =	vld.idx.msk [tilespmem:v2+s25+$0xFFFFFF40 ss:$0x1], $0xffff;
	v34 =	vadd.f32 v38, v34;
	v35 =	vadd.f32 v39, v35  }
0xe4: {  	v30 =	vld.idx.msk [tilespmem:v2+s25+$0xFFFFFF50 ss:$0x1], $0xffff;
	v28 =	vadd.f32 v28, v32;
	v33 =	vadd.f32 v31, v33  }
0xe5: {  	v31 =	vld.idx.msk [tilespmem:v2+s25+$0xFFFFFEC0 ss:$0x1], $0xffff;
	v34 =	vadd.f32 v40, v34;
	v35 =	vadd.f32 v41, v35  }
0xe6: {  	v32 =	vld.idx.msk [tilespmem:v2+s25+$0xFFFFFED0 ss:$0x1], $0xffff;
	v22 =	vadd.f32 v22, v28;
	v28 =	vadd.f32 v25, v33  }
0xe7: {  	v33 =	vld.idx.msk [tilespmem:v2+s25+$0xFFFFFE40 ss:$0x1], $0xffff;
	v25 =	vadd.f32 v26, v34;
	v26 =	vadd.f32 v27, v35  }
0xe8: {  	v34 =	vld.idx.msk [tilespmem:v2+s25+$0xFFFFFE50 ss:$0x1], $0xffff;
	v27 =	vadd.f32 v18, v22;
	v28 =	vadd.f32 v20, v28  }
0xe9: {  	s26 =	simm.s32 $0x1000;
	v35 =	vld.idx.msk [tilespmem:v2+s25+$0xFFFFFE60 ss:$0x1], $0xffff;
	v22 =	vimm.f32 $0.0e+00;
	v20 =	vimm.f32 $0.0e+00;
	v18 =	vimm.f32 $0.0e+00  }
.LBB2_8:
0xea: {  	p0 =	sne.s32 s26, $0x3000;
	v36 =	vld.idx.msk [tilespmem:v2+s25+$0xFFFFFE70 ss:$0x1], $0xffff;
	v19 =	vadd.f32 v19, v25;
	v21 =	vadd.f32 v21, v26  }
0xeb: {  	v37 =	vld.idx.msk [tilespmem:v2+s25+$0xFFFFFEE0 ss:$0x1], $0xffff;
	v15 =	vadd.f32 v15, v27;
	v17 =	vadd.f32 v17, v28  }
0xec: {  	v38 =	vld.idx.msk [tilespmem:v2+s25+$0xFFFFFEF0 ss:$0x1], $0xffff;
	v14 =	vadd.f32 v14, v19;
	v16 =	vadd.f32 v16, v21  }
0xed: {  	v19 =	vld.idx.msk [tilespmem:v2+s25+$0xFFFFFF60 ss:$0x1], $0xffff;
	v25 =	vadd.f32 v7, v15;
	v26 =	vadd.f32 v8, v17  }
0xee: {  	v7 =	vld.idx.msk [tilespmem:v2+s25+$0xFFFFFF70 ss:$0x1], $0xffff;
	v27 =	vadd.f32 v9, v14;
	v28 =	vadd.f32 v10, v16  }
0xef: {  	v8 =	vadd.f32 v33, v13;
	v9 =	vadd.f32 v34, v22;
	v10 =	vld.idx.msk [tilespmem:v2+s25+$0xFFFFFFE0 ss:$0x1], $0xffff  }
0xf0: {  	v13 =	vadd.f32 v35, v20;
	v14 =	vadd.f32 v36, v18;
	v15 =	vld.idx.msk [tilespmem:v2+s25+$0xFFFFFFF0 ss:$0x1], $0xffff  }
0xf1: {  	v8 =	vadd.f32 v31, v8;
	v9 =	vadd.f32 v32, v9;
	v16 =	vld.idx.msk [tilespmem:v2+s25+$0x60 ss:$0x1], $0xffff  }
0xf2: {  	v13 =	vadd.f32 v37, v13;
	v14 =	vadd.f32 v38, v14;
	v17 =	vld.idx.msk [tilespmem:v2+s25+$0x70 ss:$0x1], $0xffff  }
0xf3: {  	v8 =	vadd.f32 v29, v8;
	v9 =	vadd.f32 v30, v9;
	v18 =	vld.idx.msk [tilespmem:v2+s25+$0xE0 ss:$0x1], $0xffff  }
0xf4: {  	v13 =	vadd.f32 v19, v13;
	v7 =	vadd.f32 v7, v14;
	v14 =	vld.idx.msk [tilespmem:v2+s25+$0xF0 ss:$0x1], $0xffff  }
0xf5: {  	v8 =	vadd.f32 v23, v8;
	v9 =	vadd.f32 v24, v9;
	v19 =	vld.idx.msk [tilespmem:v2+s25+$0x160 ss:$0x1], $0xffff  }
0xf6: {  	v10 =	vadd.f32 v10, v13;
	v7 =	vadd.f32 v15, v7;
	v13 =	vld.idx.msk [tilespmem:v2+s25+$0x170 ss:$0x1], $0xffff  }
0xf7: {  	v8 =	vadd.f32 v12, v8;
	v9 =	vadd.f32 v11, v9;
	v11 =	vld.idx.msk [tilespmem:v2+s25+$0x1E0 ss:$0x1], $0xffff  }
0xf8: {  	v10 =	vadd.f32 v16, v10;
	v12 =	vadd.f32 v17, v7;
	v15 =	vld.idx.msk [tilespmem:v2+s25+$0x1F0 ss:$0x1], $0xffff;
	s25 =	sshra.s32 s26, $0x2  }
0xf9: {  	v6 =	vadd.f32 v6, v8;
	v5 =	vadd.f32 v5, v9;
	v7 =	vld.idx.msk [tilespmem:v2+s25+$0x180 ss:$0x1], $0xffff  }
0xfa: {  	v16 =	vadd.f32 v18, v10;
	v12 =	vadd.f32 v14, v12;
	v8 =	vld.idx.msk [tilespmem:v2+s25+$0x190 ss:$0x1], $0xffff  }
0xfb: {  	v4 =	vadd.f32 v4, v6;
	v3 =	vadd.f32 v3, v5;
	v9 =	vld.idx.msk [tilespmem:v2+s25+$0x1A0 ss:$0x1], $0xffff  }
0xfc: {  	v5 =	vadd.f32 v19, v16;
	v6 =	vadd.f32 v13, v12;
	v10 =	vld.idx.msk [tilespmem:v2+s25+$0x1B0 ss:$0x1], $0xffff  }
0xfd: {  	v13 =	vadd.f32 v1, v4;
	v22 =	vadd.f32 v0, v3;
	v1 =	vld.idx.msk [tilespmem:v2+s25+$0x1C0 ss:$0x1], $0xffff  }
0xfe: {  	v20 =	vadd.f32 v11, v5;
	v18 =	vadd.f32 v15, v6;
	v0 =	vld.idx.msk [tilespmem:v2+s25+$0x1D0 ss:$0x1], $0xffff  }
0xff: {  	v15 =	vld.idx.msk [tilespmem:v2+s25+$0x100 ss:$0x1], $0xffff  }
0x100: {  	v17 =	vld.idx.msk [tilespmem:v2+s25+$0x110 ss:$0x1], $0xffff  }
0x101: {  	v14 =	vld.idx.msk [tilespmem:v2+s25+$0x120 ss:$0x1], $0xffff  }
0x102: {  	v16 =	vld.idx.msk [tilespmem:v2+s25+$0x130 ss:$0x1], $0xffff  }
0x103: {  	v4 =	vld.idx.msk [tilespmem:v2+s25+$0x140 ss:$0x1], $0xffff  }
0x104: {  	v3 =	vld.idx.msk [tilespmem:v2+s25+$0x150 ss:$0x1], $0xffff  }
0x105: {  	v36 =	vld.idx.msk [tilespmem:v2+s25+$0x80 ss:$0x1], $0xffff  }
0x106: {  	v37 =	vld.idx.msk [tilespmem:v2+s25+$0x90 ss:$0x1], $0xffff  }
0x107: {  	v19 =	vld.idx.msk [tilespmem:v2+s25+$0xA0 ss:$0x1], $0xffff  }
0x108: {  	v21 =	vld.idx.msk [tilespmem:v2+s25+$0xB0 ss:$0x1], $0xffff  }
0x109: {  	v6 =	vld.idx.msk [tilespmem:v2+s25+$0xC0 ss:$0x1], $0xffff  }
0x10a: {  	v5 =	vld.idx.msk [tilespmem:v2+s25+$0xD0 ss:$0x1], $0xffff  }
0x10b: {  	v34 =	vld.idx.msk [tilespmem:v2+s25+$0x0 ss:$0x1], $0xffff  }
0x10c: {  	v35 =	vld.idx.msk [tilespmem:v2+s25+$0x10 ss:$0x1], $0xffff  }
0x10d: {  	v38 =	vld.idx.msk [tilespmem:v2+s25+$0x20 ss:$0x1], $0xffff  }
0x10e: {  	v39 =	vld.idx.msk [tilespmem:v2+s25+$0x30 ss:$0x1], $0xffff  }
0x10f: {  	v12 =	vld.idx.msk [tilespmem:v2+s25+$0x40 ss:$0x1], $0xffff  }
0x110: {  	v11 =	vld.idx.msk [tilespmem:v2+s25+$0x50 ss:$0x1], $0xffff  }
0x111: {  	v32 =	vld.idx.msk [tilespmem:v2+s25+$0xFFFFFF80 ss:$0x1], $0xffff  }
0x112: {  	v33 =	vld.idx.msk [tilespmem:v2+s25+$0xFFFFFF90 ss:$0x1], $0xffff  }
0x113: {  	v29 =	vld.idx.msk [tilespmem:v2+s25+$0xFFFFFF00 ss:$0x1], $0xffff  }
0x114: {  	v30 =	vld.idx.msk [tilespmem:v2+s25+$0xFFFFFF10 ss:$0x1], $0xffff  }
0x115: {  	v23 =	vld.idx.msk [tilespmem:v2+s25+$0xFFFFFE80 ss:$0x1], $0xffff  }
0x116: {  	v24 =	vld.idx.msk [tilespmem:v2+s25+$0xFFFFFE90 ss:$0x1], $0xffff  }
0x117: {  	v31 =	vld.idx.msk [tilespmem:v2+s25+$0xFFFFFE00 ss:$0x1], $0xffff  }
0x118: {  	v40 =	vld.idx.msk [tilespmem:v2+s25+$0xFFFFFE10 ss:$0x1], $0xffff  }
0x119: {  	v41 =	vld.idx.msk [tilespmem:v2+s25+$0xFFFFFE20 ss:$0x1], $0xffff  }
0x11a: {  	v42 =	vld.idx.msk [tilespmem:v2+s25+$0xFFFFFE30 ss:$0x1], $0xffff  }
0x11b: {  	v43 =	vld.idx.msk [tilespmem:v2+s25+$0xFFFFFEA0 ss:$0x1], $0xffff  }
0x11c: {  	v44 =	vld.idx.msk [tilespmem:v2+s25+$0xFFFFFEB0 ss:$0x1], $0xffff  }
0x11d: {  	v45 =	vld.idx.msk [tilespmem:v2+s25+$0xFFFFFF20 ss:$0x1], $0xffff  }
0x11e: {  	v46 =	vld.idx.msk [tilespmem:v2+s25+$0xFFFFFF30 ss:$0x1], $0xffff  }
0x11f: {  	v25 =	vadd.f32 v31, v25;
	v26 =	vadd.f32 v40, v26;
	v40 =	vld.idx.msk [tilespmem:v2+s25+$0xFFFFFFA0 ss:$0x1], $0xffff  }
0x120: {  	v27 =	vadd.f32 v41, v27;
	v28 =	vadd.f32 v42, v28;
	v41 =	vld.idx.msk [tilespmem:v2+s25+$0xFFFFFFB0 ss:$0x1], $0xffff  }
0x121: {  	v25 =	vadd.f32 v23, v25;
	v26 =	vadd.f32 v24, v26;
	v23 =	vld.idx.msk [tilespmem:v2+s25+$0xFFFFFFC0 ss:$0x1], $0xffff  }
0x122: {  	v27 =	vadd.f32 v43, v27;
	v28 =	vadd.f32 v44, v28;
	v24 =	vld.idx.msk [tilespmem:v2+s25+$0xFFFFFFD0 ss:$0x1], $0xffff  }
0x123: {  	v25 =	vadd.f32 v29, v25;
	v26 =	vadd.f32 v30, v26;
	v29 =	vld.idx.msk [tilespmem:v2+s25+$0xFFFFFF40 ss:$0x1], $0xffff  }
0x124: {  	v27 =	vadd.f32 v45, v27;
	v28 =	vadd.f32 v46, v28;
	v30 =	vld.idx.msk [tilespmem:v2+s25+$0xFFFFFF50 ss:$0x1], $0xffff  }
.Ltmp2:
0x125: {  	v25 =	vadd.f32 v32, v25;
	v26 =	vadd.f32 v33, v26;
	v31 =	vld.idx.msk [tilespmem:v2+s25+$0xFFFFFEC0 ss:$0x1], $0xffff;
	(pc) =	sbr.rel @p0 .LBB2_8-.Ltmp2, $4  }
0x126: {  	v27 =	vadd.f32 v40, v27;
	v28 =	vadd.f32 v41, v28;
	v32 =	vld.idx.msk [tilespmem:v2+s25+$0xFFFFFED0 ss:$0x1], $0xffff  }
0x127: {  	v40 =	vadd.f32 v34, v25;
	v41 =	vadd.f32 v35, v26;
	v33 =	vld.idx.msk [tilespmem:v2+s25+$0xFFFFFE40 ss:$0x1], $0xffff  }
0x128: {  	v25 =	vadd.f32 v38, v27;
	v26 =	vadd.f32 v39, v28;
	v34 =	vld.idx.msk [tilespmem:v2+s25+$0xFFFFFE50 ss:$0x1], $0xffff  }
0x129: {  	s26 =	sadd.s32 $0x1000, s26;
	v27 =	vadd.f32 v36, v40;
	v28 =	vadd.f32 v37, v41;
	v35 =	vld.idx.msk [tilespmem:v2+s25+$0xFFFFFE60 ss:$0x1], $0xffff  }
0x12a: {  	_ =	sdelay $0x1  }
0x12b: {  	v19 =	vadd.f32 v19, v25;
	v21 =	vadd.f32 v21, v26  }
0x12c: {  	v15 =	vadd.f32 v15, v27;
	v17 =	vadd.f32 v17, v28  }
0x12d: {  	v40 =	vld.idx.msk [tilespmem:v2+s25+$0xFFFFFE70 ss:$0x1], $0xffff;
	v14 =	vadd.f32 v14, v19;
	v16 =	vadd.f32 v16, v21  }
0x12e: {  	v41 =	vld.idx.msk [tilespmem:v2+s25+$0xFFFFFEE0 ss:$0x1], $0xffff;
	v13 =	vadd.f32 v33, v13;
	v7 =	vadd.f32 v7, v15  }
0x12f: {  	v42 =	vld.idx.msk [tilespmem:v2+s25+$0xFFFFFEF0 ss:$0x1], $0xffff;
	v8 =	vadd.f32 v8, v17;
	v45 =	vadd.f32 v34, v22  }
0x130: {  	v43 =	vld.idx.msk [tilespmem:v2+s25+$0xFFFFFF60 ss:$0x1], $0xffff;
	v9 =	vadd.f32 v9, v14;
	v10 =	vadd.f32 v10, v16  }
0x131: {  	v44 =	vld.idx.msk [tilespmem:v2+s25+$0xFFFFFF70 ss:$0x1], $0xffff;
	v20 =	vadd.f32 v35, v20;
	v13 =	vadd.f32 v31, v13  }
0x132: {  	v46 =	vld.idx.msk [tilespmem:v2+s25+$0xFFFFFFE0 ss:$0x1], $0xffff;
	v18 =	vadd.f32 v40, v18;
	v16 =	vadd.f32 v32, v45  }
0x133: {  	v47 =	vld.idx.msk [tilespmem:v2+s25+$0xFFFFFFF0 ss:$0x1], $0xffff;
	v20 =	vadd.f32 v41, v20;
	v13 =	vadd.f32 v29, v13  }
0x134: {  	v48 =	vld.idx.msk [tilespmem:v2+s25+$0x60 ss:$0x1], $0xffff;
	v18 =	vadd.f32 v42, v18;
	v16 =	vadd.f32 v30, v16  }
0x135: {  	v49 =	vld.idx.msk [tilespmem:v2+s25+$0x70 ss:$0x1], $0xffff;
	v15 =	vadd.f32 v43, v20;
	v13 =	vadd.f32 v23, v13  }
0x136: {  	v50 =	vld.idx.msk [tilespmem:v2+s25+$0xE0 ss:$0x1], $0xffff;
	v14 =	vadd.f32 v44, v18;
	v16 =	vadd.f32 v24, v16  }
0x137: {  	v51 =	vld.idx.msk [tilespmem:v2+s25+$0xF0 ss:$0x1], $0xffff;
	v15 =	vadd.f32 v46, v15;
	v12 =	vadd.f32 v12, v13  }
0x138: {  	v52 =	vld.idx.msk [tilespmem:v2+s25+$0x160 ss:$0x1], $0xffff;
	s26 =	sadd.s32 s22, s23;
	v53 =	vadd.f32 v47, v14;
	v11 =	vadd.f32 v11, v16  }
0x139: {  	v54 =	vld.idx.msk [tilespmem:v2+s25+$0x170 ss:$0x1], $0xffff;
	s26 =	sshll.u32 s26, $0x7;
	v15 =	vadd.f32 v48, v15;
	v6 =	vadd.f32 v6, v12  }
0x13a: {  	v55 =	vld.idx.msk [tilespmem:v2+s25+$0x1E0 ss:$0x1], $0xffff;
	s31 =	sand.u32 $0x3FFFFF80, s26;
	v57 =	vadd.f32 v49, v53;
	v5 =	vadd.f32 v5, v11  }
0x13b: {  	v56 =	vld.idx.msk [tilespmem:v2+s25+$0x1F0 ss:$0x1], $0xffff;
	[tilespmem:s31+$0xAA00] =	vst v7;
	v58 =	vadd.f32 v50, v15;
	v4 =	vadd.f32 v4, v6  }
0x13c: {  	s23 =	sadd.s32 $0x1, s23;
	[tilespmem:s31+$0xAA10] =	vst v8;
	v59 =	vadd.f32 v51, v57;
	v3 =	vadd.f32 v3, v5  }
0x13d: {  	p0 =	sne.s32 s23, $0x4;
	[tilespmem:s31+$0xAA20] =	vst v9;
	v60 =	vadd.f32 v52, v58;
	v1 =	vadd.f32 v1, v4  }
.Ltmp3:
0x13e: {  	[tilespmem:s31+$0xAA30] =	vst v10;
	v61 =	vadd.f32 v54, v59;
	v0 =	vadd.f32 v0, v3;
	(pc) =	sbr.rel @p0 .LBB2_7-.Ltmp3, $4  }
0x13f: {  	v62 =	vadd.f32 v55, v60;
	[tilespmem:s31+$0xAA40] =	vst v1  }
0x140: {  	v63 =	vadd.f32 v56, v61;
	[tilespmem:s31+$0xAA50] =	vst v0  }
0x141: {  	[tilespmem:s31+$0xAA60] =	vst v62  }
0x142: {  	s24 =	sadd.s32 $0x1000, s24;
	[tilespmem:s31+$0xAA70] =	vst v63  }
0x143: {  	s21 =	sadd.s32 s5, s21;
	s22 =	sand.u32 $0x1, s20  }
0x144: {  	p0 =	seq.s32 s22, $0x1;
	s21 =	sshll.u32 s21, $0x4  }
0x145: {  	s21 =	sadd.s32 s2, s21;
	s22 =	simm.s32 @p0 $0x0;
	s23 =	simm.s32 @p0 $0xAC00  }
0x146: {  	[hbm4b:s21+s22] =	stream.linear.scatter @p0 [tilespmem:s23], [sflag:$0x4], $0x400, $0x38;
	[tilespmem:$0x1E880] =	vst v63  }
0x147: {  	s20 =	sadd.s32 $0x1, s20;
	s22 =	simm.s32 @!p0 $0x0;
	s23 =	simm.s32 @!p0 $0xA800  }
0x148: {  	[hbm4b:s21+s22] =	stream.linear.scatter @!p0 [tilespmem:s23], [sflag:$0x3], $0x400, $0x38;
	[tilespmem:$0x1E880] =	vst v63  }
0x149: {  	p0 =	sne.s32 s20, $0x28  }
.Ltmp4:
0x14a: {  	_ = 	snop;
	(pc) =	sbr.rel @p0 .LBB2_2-.Ltmp4, $1  }
0x14b: {  	_ =	sdelay $0x3  }
0x14c: {  	s19 =	sadd.s32 $0x1, s19  }
0x14d: {  	_ =	swait.ge [sflag:s17], $0x400;
	p0 =	sne.s32 s19, s9  }
.Ltmp5:
0x14e: {  	[sflag:s17] =	ssyncset.done $0x0;
	(pc) =	sbr.rel @p0 .LBB2_1-.Ltmp5, $4  }
0x14f: {  	[sflag:s17] =	ssyncadd.s32 $0xFFFFFC00  }
0x150: {  	_ =	swait.ge [sflag:s18], $0x400  }
0x151: {  	[sflag:s18] =	ssyncset.done $0x0  }
0x152: {  	[sflag:s18] =	ssyncadd.s32 $0xFFFFFC00  }
0x153: {  	_ =	sfence.sel $0x180000  }
0x154: {  	[bflag:$0x0] =	sbarrier.arrive $0xFFFF  }
0x155: {  	p0 =	sne.s32 s0, $0x0;
	_ =	strace $0x90000047  }
0x156: {  	s0 =	sadd.s32 @!p0 $0x100000, s1;
	[bflag:$0x2] =	sbarrier.arrive $0xFFFF  }
0x157: {  	[sflag:s0] =	ssyncadd.tile.s32 @!p0 $0x1;
	_ =	shalt  }
.Lfunc_end2:
_tile_overlayer_lowered:
.L_overlay_start_2:
0x158: {  	(tag) =	ssettag $0x2  }
0x159: {  	s0 =	rddreg [dreg:$0x0];
	s2 =	stileid.u32  }
0x15a: {  	s1 =	rddreg [dreg:$0x1];
	p0 =	sne.s32 s2, $0x0  }
0x15b: {  	s3 =	rddreg [dreg:$0x2];
	[bflag:$0x3] =	sbarrier.arrive $0xFFFF;
	s2 =	simm.s32 @!p0 $0x1C05  }
0x15c: {  	[timem:s3], [sflag:s2] =	dma.local @!p0 [hbm:s0], s1  }
0x15d: {  	s0 =	simm.s32 @!p0 $0x5  }
0x15e: {  	_ =	swait.ge @!p0 [sflag:s0], s1  }
0x15f: {  	s1 =	ssub.s32 @!p0 $0x0, s1;
	[sflag:s0] =	ssyncset.done @!p0 $0x0  }
0x160: {  	[sflag:s0] =	ssyncadd.s32 @!p0 s1  }
0x161: {  	[bflag:$0x3] =	sbarrier.arrive $0xFFFF  }
0x162: {  	_ =	shalt  }

</sc_bundles>
